<compile_context>
chip_gen: v7x
topology: tpu7x:2x2x1
jax: 0.10.2.dev20260603
libtpu: 0.0.44.dev20260713+nightly
codegen_flags: <defaults>
</compile_context>

<pallas_src>
import functools

import jax
import jax.numpy as jnp
from jax import lax
from jax.experimental import pallas as pl
from jax.experimental.pallas import tpu as pltpu
from jax.experimental.pallas import tpu_sc as plsc

_NUM_USER = 1000000
_EMBED_DIM = 32
_BATCH = 16384
_LANES = 16
_RING = 16


def _make_gather():
    info = plsc.get_sparse_core_info()
    nc, ns = info.num_cores, info.num_subcores
    nw = nc * ns
    b_per_w = _BATCH // nw
    n_groups = b_per_w // _RING
    mesh = plsc.VectorSubcoreMesh(core_axis_name="c", subcore_axis_name="s")

    @functools.partial(
        pl.kernel,
        mesh=mesh,
        compiler_params=pltpu.CompilerParams(needs_layout_passes=False),
        out_type=jax.ShapeDtypeStruct((_EMBED_DIM, _BATCH), jnp.float32),
        scratch_types=[
            pltpu.VMEM((b_per_w,), jnp.int32),
            pltpu.VMEM((_EMBED_DIM, b_per_w), jnp.float32),
            [pltpu.VMEM((_EMBED_DIM, 128), jnp.float32) for _ in range(_RING)],
            [pltpu.SemaphoreType.DMA for _ in range(_RING)],
        ],
    )
    def k(idx_hbm, tt_hbm, out_hbm, idx_s, out_v, slabs, sems):
        wid = lax.axis_index("s") * nc + lax.axis_index("c")
        base = wid * b_per_w
        pltpu.sync_copy(idx_hbm.at[pl.ds(base, b_per_w)], idx_s)

        d_lo = lax.iota(jnp.int32, _LANES)
        d_hi = d_lo + _LANES

        def fetch(u, r):
            c = pl.multiple_of((u >> 7) << 7, 128)
            pltpu.async_copy(tt_hbm.at[:, pl.ds(c, 128)], slabs[r], sems[r])

        def extract(u, i, r):
            l_vec = jnp.full((_LANES,), u & 127, jnp.int32)
            i_vec = jnp.full((_LANES,), i, jnp.int32)
            lo = plsc.load_gather(slabs[r], [d_lo, l_vec])
            hi = plsc.load_gather(slabs[r], [d_hi, l_vec])
            plsc.store_scatter(out_v, [d_lo, i_vec], lo)
            plsc.store_scatter(out_v, [d_hi, i_vec], hi)

        idx0 = idx_s[pl.ds(0, _RING)]
        for r in range(_RING):
            fetch(idx0[r], r)

        def round_body(j, _):
            idx_cur = idx_s[pl.ds(j * _RING, _RING)]
            j_nxt = lax.rem(j + 1, n_groups)
            idx_nxt = idx_s[pl.ds(j_nxt * _RING, _RING)]
            for r in range(_RING):
                pltpu.make_async_copy(
                    tt_hbm.at[:, pl.ds(0, 128)], slabs[r], sems[r]
                ).wait()
                extract(idx_cur[r], j * _RING + r, r)

                @pl.when(j < n_groups - 1)
                def _():
                    fetch(idx_nxt[r], r)

            return _

        lax.fori_loop(0, n_groups, round_body, None)
        pltpu.sync_copy(out_v, out_hbm.at[:, pl.ds(base, b_per_w)])

    return k


_gather = _make_gather()


def kernel(user_idx, table):
    out_t = _gather(user_idx.astype(jnp.int32), table.T)
    return out_t.T

# --- scband reference (transcript-rebuilt; emitter-appended) ---
"""Pipeline reference for scband-user-19868518711822 (READ-ONLY COPY).

The authoritative reference and input builder live on the scoring server;
editing this copy changes nothing except your own understanding.
"""

import jax, jax.numpy as jnp
import numpy as np

NUM_USER = 1000000
EMBED_DIM = 32
BATCH = 16384

def setup_inputs(seed: int = 0) -> dict:
    key = jax.random.key(seed)
    k_idx, k_tab = jax.random.split(key)
    user_idx = jax.random.randint(k_idx, (BATCH,), 0, NUM_USER, dtype=jnp.int64 if jax.config.jax_enable_x64 else jnp.int32)
    table = jax.random.normal(k_tab, (NUM_USER, EMBED_DIM), dtype=jnp.float32) * 0.02
    return {"user_idx": user_idx, "table": table}

def reference(user_idx, table):
    # Faithful translation of nn.Embedding lookup: user_emb = embedding_user_idx(user_idx)
    user_emb = jnp.take(table, user_idx, axis=0)
    return user_emb

if __name__ == "__main__":
    import jax
    _d = setup_inputs()
    print(jax.jit(kernel)(*tuple(_d.values())))

</pallas_src>

<mosaic_0001>
#map = affine_map<(d0, d1) -> (0)>
#map1 = affine_map<(d0, d1) -> (0, 0)>
module attributes {stable_mosaic.version = 14 : i64} {
  func.func @k(%arg0: i32, %arg1: i32, %arg2: memref<16384xi32, #tpu.memory_space<hbm>>, %arg3: memref<32x1000000xf32, #tpu.memory_space<hbm>>, %arg4: memref<32x16384xf32, #tpu.memory_space<hbm>>, %arg5: memref<512xi32, #tpu.memory_space<vmem>>, %arg6: memref<32x512xf32, #tpu.memory_space<vmem>>, %arg7: memref<32x128xf32, #tpu.memory_space<vmem>>, %arg8: memref<32x128xf32, #tpu.memory_space<vmem>>, %arg9: memref<32x128xf32, #tpu.memory_space<vmem>>, %arg10: memref<32x128xf32, #tpu.memory_space<vmem>>, %arg11: memref<32x128xf32, #tpu.memory_space<vmem>>, %arg12: memref<32x128xf32, #tpu.memory_space<vmem>>, %arg13: memref<32x128xf32, #tpu.memory_space<vmem>>, %arg14: memref<32x128xf32, #tpu.memory_space<vmem>>, %arg15: memref<32x128xf32, #tpu.memory_space<vmem>>, %arg16: memref<32x128xf32, #tpu.memory_space<vmem>>, %arg17: memref<32x128xf32, #tpu.memory_space<vmem>>, %arg18: memref<32x128xf32, #tpu.memory_space<vmem>>, %arg19: memref<32x128xf32, #tpu.memory_space<vmem>>, %arg20: memref<32x128xf32, #tpu.memory_space<vmem>>, %arg21: memref<32x128xf32, #tpu.memory_space<vmem>>, %arg22: memref<32x128xf32, #tpu.memory_space<vmem>>, %arg23: memref<!tpu.dma_semaphore, #tpu.memory_space<semaphore_mem>>, %arg24: memref<!tpu.dma_semaphore, #tpu.memory_space<semaphore_mem>>, %arg25: memref<!tpu.dma_semaphore, #tpu.memory_space<semaphore_mem>>, %arg26: memref<!tpu.dma_semaphore, #tpu.memory_space<semaphore_mem>>, %arg27: memref<!tpu.dma_semaphore, #tpu.memory_space<semaphore_mem>>, %arg28: memref<!tpu.dma_semaphore, #tpu.memory_space<semaphore_mem>>, %arg29: memref<!tpu.dma_semaphore, #tpu.memory_space<semaphore_mem>>, %arg30: memref<!tpu.dma_semaphore, #tpu.memory_space<semaphore_mem>>, %arg31: memref<!tpu.dma_semaphore, #tpu.memory_space<semaphore_mem>>, %arg32: memref<!tpu.dma_semaphore, #tpu.memory_space<semaphore_mem>>, %arg33: memref<!tpu.dma_semaphore, #tpu.memory_space<semaphore_mem>>, %arg34: memref<!tpu.dma_semaphore, #tpu.memory_space<semaphore_mem>>, %arg35: memref<!tpu.dma_semaphore, #tpu.memory_space<semaphore_mem>>, %arg36: memref<!tpu.dma_semaphore, #tpu.memory_space<semaphore_mem>>, %arg37: memref<!tpu.dma_semaphore, #tpu.memory_space<semaphore_mem>>, %arg38: memref<!tpu.dma_semaphore, #tpu.memory_space<semaphore_mem>>) attributes {dimension_semantics = [#tpu.dimension_semantics<core_parallel>, #tpu.dimension_semantics<subcore_parallel>], iteration_bounds = array<i64: 2, 16>, scalar_prefetch = 0 : i64, scratch_operands = 34 : i64, tpu.core_type = #tpu.core_type<sc_vector_subcore>, window_params = [{transform_indices = #map}, {transform_indices = #map1}, {transform_indices = #map1}]} {
    %mul3A = arith.constant 2 : i32
    %mul3A_0 = arith.muli %arg1, %mul3A : i32
    %add3A = arith.addi %mul3A_0, %arg0 : i32
    %mul3A_1 = arith.constant 512 : i32
    %mul3A_2 = arith.muli %add3A, %mul3A_1 : i32
    "tpu.region"() ({
      %run_scoped3A = tpu.sem_alloc : memref<!tpu.dma_semaphore, #tpu.memory_space<semaphore_mem>>
      %dma_start3A_181 = tpu.memref_slice %arg2[%mul3A_2] : memref<16384xi32, #tpu.memory_space<hbm>> -> memref<512xi32, #tpu.memory_space<hbm>>
      %dma_start3A_182 = tpu.memref_slice %arg2[%mul3A_2] : memref<16384xi32, #tpu.memory_space<hbm>> -> memref<512xi32, #tpu.memory_space<hbm>>
      tpu.enqueue_dma source(%dma_start3A_182 : memref<512xi32, #tpu.memory_space<hbm>>) target(%arg5 : memref<512xi32, #tpu.memory_space<vmem>>) target_semaphore(%run_scoped3A : memref<!tpu.dma_semaphore, #tpu.memory_space<semaphore_mem>>)
      %dma_wait3A = tpu.memref_slice %arg2[%mul3A_2] : memref<16384xi32, #tpu.memory_space<hbm>> -> memref<512xi32, #tpu.memory_space<hbm>>
      %dma_wait3A_183 = tpu.memref_slice %arg2[%mul3A_2] : memref<16384xi32, #tpu.memory_space<hbm>> -> memref<512xi32, #tpu.memory_space<hbm>>
      tpu.wait_dma2 semaphore(%run_scoped3A : memref<!tpu.dma_semaphore, #tpu.memory_space<semaphore_mem>>) src(%dma_wait3A_183 : memref<512xi32, #tpu.memory_space<hbm>>) dst(%arg5 : memref<512xi32, #tpu.memory_space<vmem>>)
      tpu.yield
    }) : () -> ()
    %iota3A = tpu.iota {dimensions = array<i32: 0>} : vector<16xi32>
    %add3A_3 = arith.constant 16 : i32
    %add3A_4 = vector.broadcast %add3A_3 : i32 to vector<16xi32>
    %add3A_5 = arith.addi %iota3A, %add3A_4 : vector<16xi32>
    %get3A = arith.constant 0 : index
    %get3A_6 = tpu.vector_load %arg5[%get3A] {strides = array<i32>} : memref<512xi32, #tpu.memory_space<vmem>>, vector<16xi32>,
    %slice3A = vector.extract_strided_slice %get3A_6 {offsets = [0], sizes = [1], strides = [1]} : vector<16xi32> to vector<1xi32>
    %squeeze3A = vector.extract %slice3A[0] : i32 from vector<1xi32>
    %shift_right_arithmetic3A = arith.constant 7 : i32
    %shift_right_arithmetic3A_7 = arith.shrsi %squeeze3A, %shift_right_arithmetic3A : i32
    %shift_left3A = arith.constant 7 : i32
    %shift_left3A_8 = arith.shli %shift_right_arithmetic3A_7, %shift_left3A : i32
    %multiple_of3A = tpu.assume_multiple %shift_left3A_8, 128 : i32
    %dma_start3A = arith.constant 0 : i32
    %dma_start3A_9 = tpu.memref_slice %arg3[%dma_start3A, %multiple_of3A] : memref<32x1000000xf32, #tpu.memory_space<hbm>> -> memref<32x128xf32, #tpu.memory_space<hbm>>
    %dma_start3A_10 = arith.constant 0 : i32
    %dma_start3A_11 = tpu.memref_slice %arg3[%dma_start3A_10, %multiple_of3A] : memref<32x1000000xf32, #tpu.memory_space<hbm>> -> memref<32x128xf32, #tpu.memory_space<hbm>>
    tpu.enqueue_dma source(%dma_start3A_11 : memref<32x128xf32, #tpu.memory_space<hbm>>) target(%arg7 : memref<32x128xf32, #tpu.memory_space<vmem>>) target_semaphore(%arg23 : memref<!tpu.dma_semaphore, #tpu.memory_space<semaphore_mem>>)
    %slice3A_12 = vector.extract_strided_slice %get3A_6 {offsets = [1], sizes = [1], strides = [1]} : vector<16xi32> to vector<1xi32>
    %squeeze3A_13 = vector.extract %slice3A_12[0] : i32 from vector<1xi32>
    %shift_right_arithmetic3A_14 = arith.constant 7 : i32
    %shift_right_arithmetic3A_15 = arith.shrsi %squeeze3A_13, %shift_right_arithmetic3A_14 : i32
    %shift_left3A_16 = arith.constant 7 : i32
    %shift_left3A_17 = arith.shli %shift_right_arithmetic3A_15, %shift_left3A_16 : i32
    %multiple_of3A_18 = tpu.assume_multiple %shift_left3A_17, 128 : i32
    %dma_start3A_19 = arith.constant 0 : i32
    %dma_start3A_20 = tpu.memref_slice %arg3[%dma_start3A_19, %multiple_of3A_18] : memref<32x1000000xf32, #tpu.memory_space<hbm>> -> memref<32x128xf32, #tpu.memory_space<hbm>>
    %dma_start3A_21 = arith.constant 0 : i32
    %dma_start3A_22 = tpu.memref_slice %arg3[%dma_start3A_21, %multiple_of3A_18] : memref<32x1000000xf32, #tpu.memory_space<hbm>> -> memref<32x128xf32, #tpu.memory_space<hbm>>
    tpu.enqueue_dma source(%dma_start3A_22 : memref<32x128xf32, #tpu.memory_space<hbm>>) target(%arg8 : memref<32x128xf32, #tpu.memory_space<vmem>>) target_semaphore(%arg24 : memref<!tpu.dma_semaphore, #tpu.memory_space<semaphore_mem>>)
    %slice3A_23 = vector.extract_strided_slice %get3A_6 {offsets = [2], sizes = [1], strides = [1]} : vector<16xi32> to vector<1xi32>
    %squeeze3A_24 = vector.extract %slice3A_23[0] : i32 from vector<1xi32>
    %shift_right_arithmetic3A_25 = arith.constant 7 : i32
    %shift_right_arithmetic3A_26 = arith.shrsi %squeeze3A_24, %shift_right_arithmetic3A_25 : i32
    %shift_left3A_27 = arith.constant 7 : i32
    %shift_left3A_28 = arith.shli %shift_right_arithmetic3A_26, %shift_left3A_27 : i32
    %multiple_of3A_29 = tpu.assume_multiple %shift_left3A_28, 128 : i32
    %dma_start3A_30 = arith.constant 0 : i32
    %dma_start3A_31 = tpu.memref_slice %arg3[%dma_start3A_30, %multiple_of3A_29] : memref<32x1000000xf32, #tpu.memory_space<hbm>> -> memref<32x128xf32, #tpu.memory_space<hbm>>
    %dma_start3A_32 = arith.constant 0 : i32
    %dma_start3A_33 = tpu.memref_slice %arg3[%dma_start3A_32, %multiple_of3A_29] : memref<32x1000000xf32, #tpu.memory_space<hbm>> -> memref<32x128xf32, #tpu.memory_space<hbm>>
    tpu.enqueue_dma source(%dma_start3A_33 : memref<32x128xf32, #tpu.memory_space<hbm>>) target(%arg9 : memref<32x128xf32, #tpu.memory_space<vmem>>) target_semaphore(%arg25 : memref<!tpu.dma_semaphore, #tpu.memory_space<semaphore_mem>>)
    %slice3A_34 = vector.extract_strided_slice %get3A_6 {offsets = [3], sizes = [1], strides = [1]} : vector<16xi32> to vector<1xi32>
    %squeeze3A_35 = vector.extract %slice3A_34[0] : i32 from vector<1xi32>
    %shift_right_arithmetic3A_36 = arith.constant 7 : i32
    %shift_right_arithmetic3A_37 = arith.shrsi %squeeze3A_35, %shift_right_arithmetic3A_36 : i32
    %shift_left3A_38 = arith.constant 7 : i32
    %shift_left3A_39 = arith.shli %shift_right_arithmetic3A_37, %shift_left3A_38 : i32
    %multiple_of3A_40 = tpu.assume_multiple %shift_left3A_39, 128 : i32
    %dma_start3A_41 = arith.constant 0 : i32
    %dma_start3A_42 = tpu.memref_slice %arg3[%dma_start3A_41, %multiple_of3A_40] : memref<32x1000000xf32, #tpu.memory_space<hbm>> -> memref<32x128xf32, #tpu.memory_space<hbm>>
    %dma_start3A_43 = arith.constant 0 : i32
    %dma_start3A_44 = tpu.memref_slice %arg3[%dma_start3A_43, %multiple_of3A_40] : memref<32x1000000xf32, #tpu.memory_space<hbm>> -> memref<32x128xf32, #tpu.memory_space<hbm>>
    tpu.enqueue_dma source(%dma_start3A_44 : memref<32x128xf32, #tpu.memory_space<hbm>>) target(%arg10 : memref<32x128xf32, #tpu.memory_space<vmem>>) target_semaphore(%arg26 : memref<!tpu.dma_semaphore, #tpu.memory_space<semaphore_mem>>)
    %slice3A_45 = vector.extract_strided_slice %get3A_6 {offsets = [4], sizes = [1], strides = [1]} : vector<16xi32> to vector<1xi32>
    %squeeze3A_46 = vector.extract %slice3A_45[0] : i32 from vector<1xi32>
    %shift_right_arithmetic3A_47 = arith.constant 7 : i32
    %shift_right_arithmetic3A_48 = arith.shrsi %squeeze3A_46, %shift_right_arithmetic3A_47 : i32
    %shift_left3A_49 = arith.constant 7 : i32
    %shift_left3A_50 = arith.shli %shift_right_arithmetic3A_48, %shift_left3A_49 : i32
    %multiple_of3A_51 = tpu.assume_multiple %shift_left3A_50, 128 : i32
    %dma_start3A_52 = arith.constant 0 : i32
    %dma_start3A_53 = tpu.memref_slice %arg3[%dma_start3A_52, %multiple_of3A_51] : memref<32x1000000xf32, #tpu.memory_space<hbm>> -> memref<32x128xf32, #tpu.memory_space<hbm>>
    %dma_start3A_54 = arith.constant 0 : i32
    %dma_start3A_55 = tpu.memref_slice %arg3[%dma_start3A_54, %multiple_of3A_51] : memref<32x1000000xf32, #tpu.memory_space<hbm>> -> memref<32x128xf32, #tpu.memory_space<hbm>>
    tpu.enqueue_dma source(%dma_start3A_55 : memref<32x128xf32, #tpu.memory_space<hbm>>) target(%arg11 : memref<32x128xf32, #tpu.memory_space<vmem>>) target_semaphore(%arg27 : memref<!tpu.dma_semaphore, #tpu.memory_space<semaphore_mem>>)
    %slice3A_56 = vector.extract_strided_slice %get3A_6 {offsets = [5], sizes = [1], strides = [1]} : vector<16xi32> to vector<1xi32>
    %squeeze3A_57 = vector.extract %slice3A_56[0] : i32 from vector<1xi32>
    %shift_right_arithmetic3A_58 = arith.constant 7 : i32
    %shift_right_arithmetic3A_59 = arith.shrsi %squeeze3A_57, %shift_right_arithmetic3A_58 : i32
    %shift_left3A_60 = arith.constant 7 : i32
    %shift_left3A_61 = arith.shli %shift_right_arithmetic3A_59, %shift_left3A_60 : i32
    %multiple_of3A_62 = tpu.assume_multiple %shift_left3A_61, 128 : i32
    %dma_start3A_63 = arith.constant 0 : i32
    %dma_start3A_64 = tpu.memref_slice %arg3[%dma_start3A_63, %multiple_of3A_62] : memref<32x1000000xf32, #tpu.memory_space<hbm>> -> memref<32x128xf32, #tpu.memory_space<hbm>>
    %dma_start3A_65 = arith.constant 0 : i32
    %dma_start3A_66 = tpu.memref_slice %arg3[%dma_start3A_65, %multiple_of3A_62] : memref<32x1000000xf32, #tpu.memory_space<hbm>> -> memref<32x128xf32, #tpu.memory_space<hbm>>
    tpu.enqueue_dma source(%dma_start3A_66 : memref<32x128xf32, #tpu.memory_space<hbm>>) target(%arg12 : memref<32x128xf32, #tpu.memory_space<vmem>>) target_semaphore(%arg28 : memref<!tpu.dma_semaphore, #tpu.memory_space<semaphore_mem>>)
    %slice3A_67 = vector.extract_strided_slice %get3A_6 {offsets = [6], sizes = [1], strides = [1]} : vector<16xi32> to vector<1xi32>
    %squeeze3A_68 = vector.extract %slice3A_67[0] : i32 from vector<1xi32>
    %shift_right_arithmetic3A_69 = arith.constant 7 : i32
    %shift_right_arithmetic3A_70 = arith.shrsi %squeeze3A_68, %shift_right_arithmetic3A_69 : i32
    %shift_left3A_71 = arith.constant 7 : i32
    %shift_left3A_72 = arith.shli %shift_right_arithmetic3A_70, %shift_left3A_71 : i32
    %multiple_of3A_73 = tpu.assume_multiple %shift_left3A_72, 128 : i32
    %dma_start3A_74 = arith.constant 0 : i32
    %dma_start3A_75 = tpu.memref_slice %arg3[%dma_start3A_74, %multiple_of3A_73] : memref<32x1000000xf32, #tpu.memory_space<hbm>> -> memref<32x128xf32, #tpu.memory_space<hbm>>
    %dma_start3A_76 = arith.constant 0 : i32
    %dma_start3A_77 = tpu.memref_slice %arg3[%dma_start3A_76, %multiple_of3A_73] : memref<32x1000000xf32, #tpu.memory_space<hbm>> -> memref<32x128xf32, #tpu.memory_space<hbm>>
    tpu.enqueue_dma source(%dma_start3A_77 : memref<32x128xf32, #tpu.memory_space<hbm>>) target(%arg13 : memref<32x128xf32, #tpu.memory_space<vmem>>) target_semaphore(%arg29 : memref<!tpu.dma_semaphore, #tpu.memory_space<semaphore_mem>>)
    %slice3A_78 = vector.extract_strided_slice %get3A_6 {offsets = [7], sizes = [1], strides = [1]} : vector<16xi32> to vector<1xi32>
    %squeeze3A_79 = vector.extract %slice3A_78[0] : i32 from vector<1xi32>
    %shift_right_arithmetic3A_80 = arith.constant 7 : i32
    %shift_right_arithmetic3A_81 = arith.shrsi %squeeze3A_79, %shift_right_arithmetic3A_80 : i32
    %shift_left3A_82 = arith.constant 7 : i32
    %shift_left3A_83 = arith.shli %shift_right_arithmetic3A_81, %shift_left3A_82 : i32
    %multiple_of3A_84 = tpu.assume_multiple %shift_left3A_83, 128 : i32
    %dma_start3A_85 = arith.constant 0 : i32
    %dma_start3A_86 = tpu.memref_slice %arg3[%dma_start3A_85, %multiple_of3A_84] : memref<32x1000000xf32, #tpu.memory_space<hbm>> -> memref<32x128xf32, #tpu.memory_space<hbm>>
    %dma_start3A_87 = arith.constant 0 : i32
    %dma_start3A_88 = tpu.memref_slice %arg3[%dma_start3A_87, %multiple_of3A_84] : memref<32x1000000xf32, #tpu.memory_space<hbm>> -> memref<32x128xf32, #tpu.memory_space<hbm>>
    tpu.enqueue_dma source(%dma_start3A_88 : memref<32x128xf32, #tpu.memory_space<hbm>>) target(%arg14 : memref<32x128xf32, #tpu.memory_space<vmem>>) target_semaphore(%arg30 : memref<!tpu.dma_semaphore, #tpu.memory_space<semaphore_mem>>)
    %slice3A_89 = vector.extract_strided_slice %get3A_6 {offsets = [8], sizes = [1], strides = [1]} : vector<16xi32> to vector<1xi32>
    %squeeze3A_90 = vector.extract %slice3A_89[0] : i32 from vector<1xi32>
    %shift_right_arithmetic3A_91 = arith.constant 7 : i32
    %shift_right_arithmetic3A_92 = arith.shrsi %squeeze3A_90, %shift_right_arithmetic3A_91 : i32
    %shift_left3A_93 = arith.constant 7 : i32
    %shift_left3A_94 = arith.shli %shift_right_arithmetic3A_92, %shift_left3A_93 : i32
    %multiple_of3A_95 = tpu.assume_multiple %shift_left3A_94, 128 : i32
    %dma_start3A_96 = arith.constant 0 : i32
    %dma_start3A_97 = tpu.memref_slice %arg3[%dma_start3A_96, %multiple_of3A_95] : memref<32x1000000xf32, #tpu.memory_space<hbm>> -> memref<32x128xf32, #tpu.memory_space<hbm>>
    %dma_start3A_98 = arith.constant 0 : i32
    %dma_start3A_99 = tpu.memref_slice %arg3[%dma_start3A_98, %multiple_of3A_95] : memref<32x1000000xf32, #tpu.memory_space<hbm>> -> memref<32x128xf32, #tpu.memory_space<hbm>>
    tpu.enqueue_dma source(%dma_start3A_99 : memref<32x128xf32, #tpu.memory_space<hbm>>) target(%arg15 : memref<32x128xf32, #tpu.memory_space<vmem>>) target_semaphore(%arg31 : memref<!tpu.dma_semaphore, #tpu.memory_space<semaphore_mem>>)
    %slice3A_100 = vector.extract_strided_slice %get3A_6 {offsets = [9], sizes = [1], strides = [1]} : vector<16xi32> to vector<1xi32>
    %squeeze3A_101 = vector.extract %slice3A_100[0] : i32 from vector<1xi32>
    %shift_right_arithmetic3A_102 = arith.constant 7 : i32
    %shift_right_arithmetic3A_103 = arith.shrsi %squeeze3A_101, %shift_right_arithmetic3A_102 : i32
    %shift_left3A_104 = arith.constant 7 : i32
    %shift_left3A_105 = arith.shli %shift_right_arithmetic3A_103, %shift_left3A_104 : i32
    %multiple_of3A_106 = tpu.assume_multiple %shift_left3A_105, 128 : i32
    %dma_start3A_107 = arith.constant 0 : i32
    %dma_start3A_108 = tpu.memref_slice %arg3[%dma_start3A_107, %multiple_of3A_106] : memref<32x1000000xf32, #tpu.memory_space<hbm>> -> memref<32x128xf32, #tpu.memory_space<hbm>>
    %dma_start3A_109 = arith.constant 0 : i32
    %dma_start3A_110 = tpu.memref_slice %arg3[%dma_start3A_109, %multiple_of3A_106] : memref<32x1000000xf32, #tpu.memory_space<hbm>> -> memref<32x128xf32, #tpu.memory_space<hbm>>
    tpu.enqueue_dma source(%dma_start3A_110 : memref<32x128xf32, #tpu.memory_space<hbm>>) target(%arg16 : memref<32x128xf32, #tpu.memory_space<vmem>>) target_semaphore(%arg32 : memref<!tpu.dma_semaphore, #tpu.memory_space<semaphore_mem>>)
    %slice3A_111 = vector.extract_strided_slice %get3A_6 {offsets = [10], sizes = [1], strides = [1]} : vector<16xi32> to vector<1xi32>
    %squeeze3A_112 = vector.extract %slice3A_111[0] : i32 from vector<1xi32>
    %shift_right_arithmetic3A_113 = arith.constant 7 : i32
    %shift_right_arithmetic3A_114 = arith.shrsi %squeeze3A_112, %shift_right_arithmetic3A_113 : i32
    %shift_left3A_115 = arith.constant 7 : i32
    %shift_left3A_116 = arith.shli %shift_right_arithmetic3A_114, %shift_left3A_115 : i32
    %multiple_of3A_117 = tpu.assume_multiple %shift_left3A_116, 128 : i32
    %dma_start3A_118 = arith.constant 0 : i32
    %dma_start3A_119 = tpu.memref_slice %arg3[%dma_start3A_118, %multiple_of3A_117] : memref<32x1000000xf32, #tpu.memory_space<hbm>> -> memref<32x128xf32, #tpu.memory_space<hbm>>
    %dma_start3A_120 = arith.constant 0 : i32
    %dma_start3A_121 = tpu.memref_slice %arg3[%dma_start3A_120, %multiple_of3A_117] : memref<32x1000000xf32, #tpu.memory_space<hbm>> -> memref<32x128xf32, #tpu.memory_space<hbm>>
    tpu.enqueue_dma source(%dma_start3A_121 : memref<32x128xf32, #tpu.memory_space<hbm>>) target(%arg17 : memref<32x128xf32, #tpu.memory_space<vmem>>) target_semaphore(%arg33 : memref<!tpu.dma_semaphore, #tpu.memory_space<semaphore_mem>>)
    %slice3A_122 = vector.extract_strided_slice %get3A_6 {offsets = [11], sizes = [1], strides = [1]} : vector<16xi32> to vector<1xi32>
    %squeeze3A_123 = vector.extract %slice3A_122[0] : i32 from vector<1xi32>
    %shift_right_arithmetic3A_124 = arith.constant 7 : i32
    %shift_right_arithmetic3A_125 = arith.shrsi %squeeze3A_123, %shift_right_arithmetic3A_124 : i32
    %shift_left3A_126 = arith.constant 7 : i32
    %shift_left3A_127 = arith.shli %shift_right_arithmetic3A_125, %shift_left3A_126 : i32
    %multiple_of3A_128 = tpu.assume_multiple %shift_left3A_127, 128 : i32
    %dma_start3A_129 = arith.constant 0 : i32
    %dma_start3A_130 = tpu.memref_slice %arg3[%dma_start3A_129, %multiple_of3A_128] : memref<32x1000000xf32, #tpu.memory_space<hbm>> -> memref<32x128xf32, #tpu.memory_space<hbm>>
    %dma_start3A_131 = arith.constant 0 : i32
    %dma_start3A_132 = tpu.memref_slice %arg3[%dma_start3A_131, %multiple_of3A_128] : memref<32x1000000xf32, #tpu.memory_space<hbm>> -> memref<32x128xf32, #tpu.memory_space<hbm>>
    tpu.enqueue_dma source(%dma_start3A_132 : memref<32x128xf32, #tpu.memory_space<hbm>>) target(%arg18 : memref<32x128xf32, #tpu.memory_space<vmem>>) target_semaphore(%arg34 : memref<!tpu.dma_semaphore, #tpu.memory_space<semaphore_mem>>)
    %slice3A_133 = vector.extract_strided_slice %get3A_6 {offsets = [12], sizes = [1], strides = [1]} : vector<16xi32> to vector<1xi32>
    %squeeze3A_134 = vector.extract %slice3A_133[0] : i32 from vector<1xi32>
    %shift_right_arithmetic3A_135 = arith.constant 7 : i32
    %shift_right_arithmetic3A_136 = arith.shrsi %squeeze3A_134, %shift_right_arithmetic3A_135 : i32
    %shift_left3A_137 = arith.constant 7 : i32
    %shift_left3A_138 = arith.shli %shift_right_arithmetic3A_136, %shift_left3A_137 : i32
    %multiple_of3A_139 = tpu.assume_multiple %shift_left3A_138, 128 : i32
    %dma_start3A_140 = arith.constant 0 : i32
    %dma_start3A_141 = tpu.memref_slice %arg3[%dma_start3A_140, %multiple_of3A_139] : memref<32x1000000xf32, #tpu.memory_space<hbm>> -> memref<32x128xf32, #tpu.memory_space<hbm>>
    %dma_start3A_142 = arith.constant 0 : i32
    %dma_start3A_143 = tpu.memref_slice %arg3[%dma_start3A_142, %multiple_of3A_139] : memref<32x1000000xf32, #tpu.memory_space<hbm>> -> memref<32x128xf32, #tpu.memory_space<hbm>>
    tpu.enqueue_dma source(%dma_start3A_143 : memref<32x128xf32, #tpu.memory_space<hbm>>) target(%arg19 : memref<32x128xf32, #tpu.memory_space<vmem>>) target_semaphore(%arg35 : memref<!tpu.dma_semaphore, #tpu.memory_space<semaphore_mem>>)
    %slice3A_144 = vector.extract_strided_slice %get3A_6 {offsets = [13], sizes = [1], strides = [1]} : vector<16xi32> to vector<1xi32>
    %squeeze3A_145 = vector.extract %slice3A_144[0] : i32 from vector<1xi32>
    %shift_right_arithmetic3A_146 = arith.constant 7 : i32
    %shift_right_arithmetic3A_147 = arith.shrsi %squeeze3A_145, %shift_right_arithmetic3A_146 : i32
    %shift_left3A_148 = arith.constant 7 : i32
    %shift_left3A_149 = arith.shli %shift_right_arithmetic3A_147, %shift_left3A_148 : i32
    %multiple_of3A_150 = tpu.assume_multiple %shift_left3A_149, 128 : i32
    %dma_start3A_151 = arith.constant 0 : i32
    %dma_start3A_152 = tpu.memref_slice %arg3[%dma_start3A_151, %multiple_of3A_150] : memref<32x1000000xf32, #tpu.memory_space<hbm>> -> memref<32x128xf32, #tpu.memory_space<hbm>>
    %dma_start3A_153 = arith.constant 0 : i32
    %dma_start3A_154 = tpu.memref_slice %arg3[%dma_start3A_153, %multiple_of3A_150] : memref<32x1000000xf32, #tpu.memory_space<hbm>> -> memref<32x128xf32, #tpu.memory_space<hbm>>
    tpu.enqueue_dma source(%dma_start3A_154 : memref<32x128xf32, #tpu.memory_space<hbm>>) target(%arg20 : memref<32x128xf32, #tpu.memory_space<vmem>>) target_semaphore(%arg36 : memref<!tpu.dma_semaphore, #tpu.memory_space<semaphore_mem>>)
    %slice3A_155 = vector.extract_strided_slice %get3A_6 {offsets = [14], sizes = [1], strides = [1]} : vector<16xi32> to vector<1xi32>
    %squeeze3A_156 = vector.extract %slice3A_155[0] : i32 from vector<1xi32>
    %shift_right_arithmetic3A_157 = arith.constant 7 : i32
    %shift_right_arithmetic3A_158 = arith.shrsi %squeeze3A_156, %shift_right_arithmetic3A_157 : i32
    %shift_left3A_159 = arith.constant 7 : i32
    %shift_left3A_160 = arith.shli %shift_right_arithmetic3A_158, %shift_left3A_159 : i32
    %multiple_of3A_161 = tpu.assume_multiple %shift_left3A_160, 128 : i32
    %dma_start3A_162 = arith.constant 0 : i32
    %dma_start3A_163 = tpu.memref_slice %arg3[%dma_start3A_162, %multiple_of3A_161] : memref<32x1000000xf32, #tpu.memory_space<hbm>> -> memref<32x128xf32, #tpu.memory_space<hbm>>
    %dma_start3A_164 = arith.constant 0 : i32
    %dma_start3A_165 = tpu.memref_slice %arg3[%dma_start3A_164, %multiple_of3A_161] : memref<32x1000000xf32, #tpu.memory_space<hbm>> -> memref<32x128xf32, #tpu.memory_space<hbm>>
    tpu.enqueue_dma source(%dma_start3A_165 : memref<32x128xf32, #tpu.memory_space<hbm>>) target(%arg21 : memref<32x128xf32, #tpu.memory_space<vmem>>) target_semaphore(%arg37 : memref<!tpu.dma_semaphore, #tpu.memory_space<semaphore_mem>>)
    %slice3A_166 = vector.extract_strided_slice %get3A_6 {offsets = [15], sizes = [1], strides = [1]} : vector<16xi32> to vector<1xi32>
    %squeeze3A_167 = vector.extract %slice3A_166[0] : i32 from vector<1xi32>
    %shift_right_arithmetic3A_168 = arith.constant 7 : i32
    %shift_right_arithmetic3A_169 = arith.shrsi %squeeze3A_167, %shift_right_arithmetic3A_168 : i32
    %shift_left3A_170 = arith.constant 7 : i32
    %shift_left3A_171 = arith.shli %shift_right_arithmetic3A_169, %shift_left3A_170 : i32
    %multiple_of3A_172 = tpu.assume_multiple %shift_left3A_171, 128 : i32
    %dma_start3A_173 = arith.constant 0 : i32
    %dma_start3A_174 = tpu.memref_slice %arg3[%dma_start3A_173, %multiple_of3A_172] : memref<32x1000000xf32, #tpu.memory_space<hbm>> -> memref<32x128xf32, #tpu.memory_space<hbm>>
    %dma_start3A_175 = arith.constant 0 : i32
    %dma_start3A_176 = tpu.memref_slice %arg3[%dma_start3A_175, %multiple_of3A_172] : memref<32x1000000xf32, #tpu.memory_space<hbm>> -> memref<32x128xf32, #tpu.memory_space<hbm>>
    tpu.enqueue_dma source(%dma_start3A_176 : memref<32x128xf32, #tpu.memory_space<hbm>>) target(%arg22 : memref<32x128xf32, #tpu.memory_space<vmem>>) target_semaphore(%arg38 : memref<!tpu.dma_semaphore, #tpu.memory_space<semaphore_mem>>)
    %scan3A = arith.constant 0 : i32
    %scan3A_177 = arith.constant 32 : i32
    %scan3A_178 = arith.addi %scan3A, %scan3A_177 : i32
    %scan3A_179 = arith.constant 1 : i32
    scf.for %scan3A_181 = %scan3A to %scan3A_178 step %scan3A_179  : i32 {
      %mul3A_182 = arith.constant 16 : i32
      %mul3A_183 = arith.muli %scan3A_181, %mul3A_182 : i32
      %get3A_184 = arith.index_cast %mul3A_183 : i32 to index
      %get3A_185 = tpu.vector_load %arg5[%get3A_184] {strides = array<i32>} : memref<512xi32, #tpu.memory_space<vmem>>, vector<16xi32>,
      %add3A_186 = arith.constant 1 : i32
      %add3A_187 = arith.addi %scan3A_181, %add3A_186 : i32
      %rem3A = arith.constant 32 : i32
      %rem3A_188 = arith.remsi %add3A_187, %rem3A : i32
      %mul3A_189 = arith.constant 16 : i32
      %mul3A_190 = arith.muli %rem3A_188, %mul3A_189 : i32
      %get3A_191 = arith.index_cast %mul3A_190 : i32 to index
      %get3A_192 = tpu.vector_load %arg5[%get3A_191] {strides = array<i32>} : memref<512xi32, #tpu.memory_space<vmem>>, vector<16xi32>,
      %dma_wait3A = arith.constant 0 : i32
      %dma_wait3A_193 = arith.constant 0 : i32
      %dma_wait3A_194 = tpu.memref_slice %arg3[%dma_wait3A, %dma_wait3A_193] : memref<32x1000000xf32, #tpu.memory_space<hbm>> -> memref<32x128xf32, #tpu.memory_space<hbm>>
      %dma_wait3A_195 = arith.constant 0 : i32
      %dma_wait3A_196 = arith.constant 0 : i32
      %dma_wait3A_197 = tpu.memref_slice %arg3[%dma_wait3A_195, %dma_wait3A_196] : memref<32x1000000xf32, #tpu.memory_space<hbm>> -> memref<32x128xf32, #tpu.memory_space<hbm>>
      tpu.wait_dma2 semaphore(%arg23 : memref<!tpu.dma_semaphore, #tpu.memory_space<semaphore_mem>>) src(%dma_wait3A_197 : memref<32x128xf32, #tpu.memory_space<hbm>>) dst(%arg7 : memref<32x128xf32, #tpu.memory_space<vmem>>)
      %slice3A_198 = vector.extract_strided_slice %get3A_185 {offsets = [0], sizes = [1], strides = [1]} : vector<16xi32> to vector<1xi32>
      %squeeze3A_199 = vector.extract %slice3A_198[0] : i32 from vector<1xi32>
      %mul3A_200 = arith.constant 16 : i32
      %mul3A_201 = arith.muli %scan3A_181, %mul3A_200 : i32
      %add3A_202 = arith.constant 0 : i32
      %add3A_203 = arith.addi %mul3A_201, %add3A_202 : i32
      %and3A = arith.constant 127 : i32
      %and3A_204 = arith.andi %squeeze3A_199, %and3A : i32
      %broadcast_in_dim3A = vector.broadcast %and3A_204 : i32 to vector<16xi32>
      %broadcast_in_dim3A_205 = vector.broadcast %add3A_203 : i32 to vector<16xi32>
      %gather3A = tpu.vector_load_idx %arg7[%iota3A, %broadcast_in_dim3A] : memref<32x128xf32, #tpu.memory_space<vmem>>[vector<16xi32>, vector<16xi32>], vector<16xf32>,
      %gather3A_206 = tpu.vector_load_idx %arg7[%add3A_5, %broadcast_in_dim3A] : memref<32x128xf32, #tpu.memory_space<vmem>>[vector<16xi32>, vector<16xi32>], vector<16xf32>,
      tpu.vector_store_idx %arg6[%iota3A, %broadcast_in_dim3A_205], %gather3A : memref<32x512xf32, #tpu.memory_space<vmem>>[vector<16xi32>, vector<16xi32>], vector<16xf32>,
      tpu.vector_store_idx %arg6[%add3A_5, %broadcast_in_dim3A_205], %gather3A_206 : memref<32x512xf32, #tpu.memory_space<vmem>>[vector<16xi32>, vector<16xi32>], vector<16xf32>,
      %lt3A = arith.constant 31 : i32
      %lt3A_207 = arith.cmpi slt, %scan3A_181, %lt3A : i32
      %convert_element_type3A = arith.extui %lt3A_207 : i1 to i32
      %cond3A = arith.constant 0 : i32
      %cond3A_208 = arith.cmpi ne, %convert_element_type3A, %cond3A : i32
      scf.if %cond3A_208 {
        %slice3A_554 = vector.extract_strided_slice %get3A_192 {offsets = [0], sizes = [1], strides = [1]} : vector<16xi32> to vector<1xi32>
        %squeeze3A_555 = vector.extract %slice3A_554[0] : i32 from vector<1xi32>
        %shift_right_arithmetic3A_556 = arith.constant 7 : i32
        %shift_right_arithmetic3A_557 = arith.shrsi %squeeze3A_555, %shift_right_arithmetic3A_556 : i32
        %shift_left3A_558 = arith.constant 7 : i32
        %shift_left3A_559 = arith.shli %shift_right_arithmetic3A_557, %shift_left3A_558 : i32
        %multiple_of3A_560 = tpu.assume_multiple %shift_left3A_559, 128 : i32
        %dma_start3A_561 = arith.constant 0 : i32
        %dma_start3A_562 = tpu.memref_slice %arg3[%dma_start3A_561, %multiple_of3A_560] : memref<32x1000000xf32, #tpu.memory_space<hbm>> -> memref<32x128xf32, #tpu.memory_space<hbm>>
        %dma_start3A_563 = arith.constant 0 : i32
        %dma_start3A_564 = tpu.memref_slice %arg3[%dma_start3A_563, %multiple_of3A_560] : memref<32x1000000xf32, #tpu.memory_space<hbm>> -> memref<32x128xf32, #tpu.memory_space<hbm>>
        tpu.enqueue_dma source(%dma_start3A_564 : memref<32x128xf32, #tpu.memory_space<hbm>>) target(%arg7 : memref<32x128xf32, #tpu.memory_space<vmem>>) target_semaphore(%arg23 : memref<!tpu.dma_semaphore, #tpu.memory_space<semaphore_mem>>)
      } else {
      }
      %dma_wait3A_209 = arith.constant 0 : i32
      %dma_wait3A_210 = arith.constant 0 : i32
      %dma_wait3A_211 = tpu.memref_slice %arg3[%dma_wait3A_209, %dma_wait3A_210] : memref<32x1000000xf32, #tpu.memory_space<hbm>> -> memref<32x128xf32, #tpu.memory_space<hbm>>
      %dma_wait3A_212 = arith.constant 0 : i32
      %dma_wait3A_213 = arith.constant 0 : i32
      %dma_wait3A_214 = tpu.memref_slice %arg3[%dma_wait3A_212, %dma_wait3A_213] : memref<32x1000000xf32, #tpu.memory_space<hbm>> -> memref<32x128xf32, #tpu.memory_space<hbm>>
      tpu.wait_dma2 semaphore(%arg24 : memref<!tpu.dma_semaphore, #tpu.memory_space<semaphore_mem>>) src(%dma_wait3A_214 : memref<32x128xf32, #tpu.memory_space<hbm>>) dst(%arg8 : memref<32x128xf32, #tpu.memory_space<vmem>>)
      %slice3A_215 = vector.extract_strided_slice %get3A_185 {offsets = [1], sizes = [1], strides = [1]} : vector<16xi32> to vector<1xi32>
      %squeeze3A_216 = vector.extract %slice3A_215[0] : i32 from vector<1xi32>
      %mul3A_217 = arith.constant 16 : i32
      %mul3A_218 = arith.muli %scan3A_181, %mul3A_217 : i32
      %add3A_219 = arith.constant 1 : i32
      %add3A_220 = arith.addi %mul3A_218, %add3A_219 : i32
      %and3A_221 = arith.constant 127 : i32
      %and3A_222 = arith.andi %squeeze3A_216, %and3A_221 : i32
      %broadcast_in_dim3A_223 = vector.broadcast %and3A_222 : i32 to vector<16xi32>
      %broadcast_in_dim3A_224 = vector.broadcast %add3A_220 : i32 to vector<16xi32>
      %gather3A_225 = tpu.vector_load_idx %arg8[%iota3A, %broadcast_in_dim3A_223] : memref<32x128xf32, #tpu.memory_space<vmem>>[vector<16xi32>, vector<16xi32>], vector<16xf32>,
      %gather3A_226 = tpu.vector_load_idx %arg8[%add3A_5, %broadcast_in_dim3A_223] : memref<32x128xf32, #tpu.memory_space<vmem>>[vector<16xi32>, vector<16xi32>], vector<16xf32>,
      tpu.vector_store_idx %arg6[%iota3A, %broadcast_in_dim3A_224], %gather3A_225 : memref<32x512xf32, #tpu.memory_space<vmem>>[vector<16xi32>, vector<16xi32>], vector<16xf32>,
      tpu.vector_store_idx %arg6[%add3A_5, %broadcast_in_dim3A_224], %gather3A_226 : memref<32x512xf32, #tpu.memory_space<vmem>>[vector<16xi32>, vector<16xi32>], vector<16xf32>,
      %lt3A_227 = arith.constant 31 : i32
      %lt3A_228 = arith.cmpi slt, %scan3A_181, %lt3A_227 : i32
      %convert_element_type3A_229 = arith.extui %lt3A_228 : i1 to i32
      %cond3A_230 = arith.constant 0 : i32
      %cond3A_231 = arith.cmpi ne, %convert_element_type3A_229, %cond3A_230 : i32
      scf.if %cond3A_231 {
        %slice3A_554 = vector.extract_strided_slice %get3A_192 {offsets = [1], sizes = [1], strides = [1]} : vector<16xi32> to vector<1xi32>
        %squeeze3A_555 = vector.extract %slice3A_554[0] : i32 from vector<1xi32>
        %shift_right_arithmetic3A_556 = arith.constant 7 : i32
        %shift_right_arithmetic3A_557 = arith.shrsi %squeeze3A_555, %shift_right_arithmetic3A_556 : i32
        %shift_left3A_558 = arith.constant 7 : i32
        %shift_left3A_559 = arith.shli %shift_right_arithmetic3A_557, %shift_left3A_558 : i32
        %multiple_of3A_560 = tpu.assume_multiple %shift_left3A_559, 128 : i32
        %dma_start3A_561 = arith.constant 0 : i32
        %dma_start3A_562 = tpu.memref_slice %arg3[%dma_start3A_561, %multiple_of3A_560] : memref<32x1000000xf32, #tpu.memory_space<hbm>> -> memref<32x128xf32, #tpu.memory_space<hbm>>
        %dma_start3A_563 = arith.constant 0 : i32
        %dma_start3A_564 = tpu.memref_slice %arg3[%dma_start3A_563, %multiple_of3A_560] : memref<32x1000000xf32, #tpu.memory_space<hbm>> -> memref<32x128xf32, #tpu.memory_space<hbm>>
        tpu.enqueue_dma source(%dma_start3A_564 : memref<32x128xf32, #tpu.memory_space<hbm>>) target(%arg8 : memref<32x128xf32, #tpu.memory_space<vmem>>) target_semaphore(%arg24 : memref<!tpu.dma_semaphore, #tpu.memory_space<semaphore_mem>>)
      } else {
      }
      %dma_wait3A_232 = arith.constant 0 : i32
      %dma_wait3A_233 = arith.constant 0 : i32
      %dma_wait3A_234 = tpu.memref_slice %arg3[%dma_wait3A_232, %dma_wait3A_233] : memref<32x1000000xf32, #tpu.memory_space<hbm>> -> memref<32x128xf32, #tpu.memory_space<hbm>>
      %dma_wait3A_235 = arith.constant 0 : i32
      %dma_wait3A_236 = arith.constant 0 : i32
      %dma_wait3A_237 = tpu.memref_slice %arg3[%dma_wait3A_235, %dma_wait3A_236] : memref<32x1000000xf32, #tpu.memory_space<hbm>> -> memref<32x128xf32, #tpu.memory_space<hbm>>
      tpu.wait_dma2 semaphore(%arg25 : memref<!tpu.dma_semaphore, #tpu.memory_space<semaphore_mem>>) src(%dma_wait3A_237 : memref<32x128xf32, #tpu.memory_space<hbm>>) dst(%arg9 : memref<32x128xf32, #tpu.memory_space<vmem>>)
      %slice3A_238 = vector.extract_strided_slice %get3A_185 {offsets = [2], sizes = [1], strides = [1]} : vector<16xi32> to vector<1xi32>
      %squeeze3A_239 = vector.extract %slice3A_238[0] : i32 from vector<1xi32>
      %mul3A_240 = arith.constant 16 : i32
      %mul3A_241 = arith.muli %scan3A_181, %mul3A_240 : i32
      %add3A_242 = arith.constant 2 : i32
      %add3A_243 = arith.addi %mul3A_241, %add3A_242 : i32
      %and3A_244 = arith.constant 127 : i32
      %and3A_245 = arith.andi %squeeze3A_239, %and3A_244 : i32
      %broadcast_in_dim3A_246 = vector.broadcast %and3A_245 : i32 to vector<16xi32>
      %broadcast_in_dim3A_247 = vector.broadcast %add3A_243 : i32 to vector<16xi32>
      %gather3A_248 = tpu.vector_load_idx %arg9[%iota3A, %broadcast_in_dim3A_246] : memref<32x128xf32, #tpu.memory_space<vmem>>[vector<16xi32>, vector<16xi32>], vector<16xf32>,
      %gather3A_249 = tpu.vector_load_idx %arg9[%add3A_5, %broadcast_in_dim3A_246] : memref<32x128xf32, #tpu.memory_space<vmem>>[vector<16xi32>, vector<16xi32>], vector<16xf32>,
      tpu.vector_store_idx %arg6[%iota3A, %broadcast_in_dim3A_247], %gather3A_248 : memref<32x512xf32, #tpu.memory_space<vmem>>[vector<16xi32>, vector<16xi32>], vector<16xf32>,
      tpu.vector_store_idx %arg6[%add3A_5, %broadcast_in_dim3A_247], %gather3A_249 : memref<32x512xf32, #tpu.memory_space<vmem>>[vector<16xi32>, vector<16xi32>], vector<16xf32>,
      %lt3A_250 = arith.constant 31 : i32
      %lt3A_251 = arith.cmpi slt, %scan3A_181, %lt3A_250 : i32
      %convert_element_type3A_252 = arith.extui %lt3A_251 : i1 to i32
      %cond3A_253 = arith.constant 0 : i32
      %cond3A_254 = arith.cmpi ne, %convert_element_type3A_252, %cond3A_253 : i32
      scf.if %cond3A_254 {
        %slice3A_554 = vector.extract_strided_slice %get3A_192 {offsets = [2], sizes = [1], strides = [1]} : vector<16xi32> to vector<1xi32>
        %squeeze3A_555 = vector.extract %slice3A_554[0] : i32 from vector<1xi32>
        %shift_right_arithmetic3A_556 = arith.constant 7 : i32
        %shift_right_arithmetic3A_557 = arith.shrsi %squeeze3A_555, %shift_right_arithmetic3A_556 : i32
        %shift_left3A_558 = arith.constant 7 : i32
        %shift_left3A_559 = arith.shli %shift_right_arithmetic3A_557, %shift_left3A_558 : i32
        %multiple_of3A_560 = tpu.assume_multiple %shift_left3A_559, 128 : i32
        %dma_start3A_561 = arith.constant 0 : i32
        %dma_start3A_562 = tpu.memref_slice %arg3[%dma_start3A_561, %multiple_of3A_560] : memref<32x1000000xf32, #tpu.memory_space<hbm>> -> memref<32x128xf32, #tpu.memory_space<hbm>>
        %dma_start3A_563 = arith.constant 0 : i32
        %dma_start3A_564 = tpu.memref_slice %arg3[%dma_start3A_563, %multiple_of3A_560] : memref<32x1000000xf32, #tpu.memory_space<hbm>> -> memref<32x128xf32, #tpu.memory_space<hbm>>
        tpu.enqueue_dma source(%dma_start3A_564 : memref<32x128xf32, #tpu.memory_space<hbm>>) target(%arg9 : memref<32x128xf32, #tpu.memory_space<vmem>>) target_semaphore(%arg25 : memref<!tpu.dma_semaphore, #tpu.memory_space<semaphore_mem>>)
      } else {
      }
      %dma_wait3A_255 = arith.constant 0 : i32
      %dma_wait3A_256 = arith.constant 0 : i32
      %dma_wait3A_257 = tpu.memref_slice %arg3[%dma_wait3A_255, %dma_wait3A_256] : memref<32x1000000xf32, #tpu.memory_space<hbm>> -> memref<32x128xf32, #tpu.memory_space<hbm>>
      %dma_wait3A_258 = arith.constant 0 : i32
      %dma_wait3A_259 = arith.constant 0 : i32
      %dma_wait3A_260 = tpu.memref_slice %arg3[%dma_wait3A_258, %dma_wait3A_259] : memref<32x1000000xf32, #tpu.memory_space<hbm>> -> memref<32x128xf32, #tpu.memory_space<hbm>>
      tpu.wait_dma2 semaphore(%arg26 : memref<!tpu.dma_semaphore, #tpu.memory_space<semaphore_mem>>) src(%dma_wait3A_260 : memref<32x128xf32, #tpu.memory_space<hbm>>) dst(%arg10 : memref<32x128xf32, #tpu.memory_space<vmem>>)
      %slice3A_261 = vector.extract_strided_slice %get3A_185 {offsets = [3], sizes = [1], strides = [1]} : vector<16xi32> to vector<1xi32>
      %squeeze3A_262 = vector.extract %slice3A_261[0] : i32 from vector<1xi32>
      %mul3A_263 = arith.constant 16 : i32
      %mul3A_264 = arith.muli %scan3A_181, %mul3A_263 : i32
      %add3A_265 = arith.constant 3 : i32
      %add3A_266 = arith.addi %mul3A_264, %add3A_265 : i32
      %and3A_267 = arith.constant 127 : i32
      %and3A_268 = arith.andi %squeeze3A_262, %and3A_267 : i32
      %broadcast_in_dim3A_269 = vector.broadcast %and3A_268 : i32 to vector<16xi32>
      %broadcast_in_dim3A_270 = vector.broadcast %add3A_266 : i32 to vector<16xi32>
      %gather3A_271 = tpu.vector_load_idx %arg10[%iota3A, %broadcast_in_dim3A_269] : memref<32x128xf32, #tpu.memory_space<vmem>>[vector<16xi32>, vector<16xi32>], vector<16xf32>,
      %gather3A_272 = tpu.vector_load_idx %arg10[%add3A_5, %broadcast_in_dim3A_269] : memref<32x128xf32, #tpu.memory_space<vmem>>[vector<16xi32>, vector<16xi32>], vector<16xf32>,
      tpu.vector_store_idx %arg6[%iota3A, %broadcast_in_dim3A_270], %gather3A_271 : memref<32x512xf32, #tpu.memory_space<vmem>>[vector<16xi32>, vector<16xi32>], vector<16xf32>,
      tpu.vector_store_idx %arg6[%add3A_5, %broadcast_in_dim3A_270], %gather3A_272 : memref<32x512xf32, #tpu.memory_space<vmem>>[vector<16xi32>, vector<16xi32>], vector<16xf32>,
      %lt3A_273 = arith.constant 31 : i32
      %lt3A_274 = arith.cmpi slt, %scan3A_181, %lt3A_273 : i32
      %convert_element_type3A_275 = arith.extui %lt3A_274 : i1 to i32
      %cond3A_276 = arith.constant 0 : i32
      %cond3A_277 = arith.cmpi ne, %convert_element_type3A_275, %cond3A_276 : i32
      scf.if %cond3A_277 {
        %slice3A_554 = vector.extract_strided_slice %get3A_192 {offsets = [3], sizes = [1], strides = [1]} : vector<16xi32> to vector<1xi32>
        %squeeze3A_555 = vector.extract %slice3A_554[0] : i32 from vector<1xi32>
        %shift_right_arithmetic3A_556 = arith.constant 7 : i32
        %shift_right_arithmetic3A_557 = arith.shrsi %squeeze3A_555, %shift_right_arithmetic3A_556 : i32
        %shift_left3A_558 = arith.constant 7 : i32
        %shift_left3A_559 = arith.shli %shift_right_arithmetic3A_557, %shift_left3A_558 : i32
        %multiple_of3A_560 = tpu.assume_multiple %shift_left3A_559, 128 : i32
        %dma_start3A_561 = arith.constant 0 : i32
        %dma_start3A_562 = tpu.memref_slice %arg3[%dma_start3A_561, %multiple_of3A_560] : memref<32x1000000xf32, #tpu.memory_space<hbm>> -> memref<32x128xf32, #tpu.memory_space<hbm>>
        %dma_start3A_563 = arith.constant 0 : i32
        %dma_start3A_564 = tpu.memref_slice %arg3[%dma_start3A_563, %multiple_of3A_560] : memref<32x1000000xf32, #tpu.memory_space<hbm>> -> memref<32x128xf32, #tpu.memory_space<hbm>>
        tpu.enqueue_dma source(%dma_start3A_564 : memref<32x128xf32, #tpu.memory_space<hbm>>) target(%arg10 : memref<32x128xf32, #tpu.memory_space<vmem>>) target_semaphore(%arg26 : memref<!tpu.dma_semaphore, #tpu.memory_space<semaphore_mem>>)
      } else {
      }
      %dma_wait3A_278 = arith.constant 0 : i32
      %dma_wait3A_279 = arith.constant 0 : i32
      %dma_wait3A_280 = tpu.memref_slice %arg3[%dma_wait3A_278, %dma_wait3A_279] : memref<32x1000000xf32, #tpu.memory_space<hbm>> -> memref<32x128xf32, #tpu.memory_space<hbm>>
      %dma_wait3A_281 = arith.constant 0 : i32
      %dma_wait3A_282 = arith.constant 0 : i32
      %dma_wait3A_283 = tpu.memref_slice %arg3[%dma_wait3A_281, %dma_wait3A_282] : memref<32x1000000xf32, #tpu.memory_space<hbm>> -> memref<32x128xf32, #tpu.memory_space<hbm>>
      tpu.wait_dma2 semaphore(%arg27 : memref<!tpu.dma_semaphore, #tpu.memory_space<semaphore_mem>>) src(%dma_wait3A_283 : memref<32x128xf32, #tpu.memory_space<hbm>>) dst(%arg11 : memref<32x128xf32, #tpu.memory_space<vmem>>)
      %slice3A_284 = vector.extract_strided_slice %get3A_185 {offsets = [4], sizes = [1], strides = [1]} : vector<16xi32> to vector<1xi32>
      %squeeze3A_285 = vector.extract %slice3A_284[0] : i32 from vector<1xi32>
      %mul3A_286 = arith.constant 16 : i32
      %mul3A_287 = arith.muli %scan3A_181, %mul3A_286 : i32
      %add3A_288 = arith.constant 4 : i32
      %add3A_289 = arith.addi %mul3A_287, %add3A_288 : i32
      %and3A_290 = arith.constant 127 : i32
      %and3A_291 = arith.andi %squeeze3A_285, %and3A_290 : i32
      %broadcast_in_dim3A_292 = vector.broadcast %and3A_291 : i32 to vector<16xi32>
      %broadcast_in_dim3A_293 = vector.broadcast %add3A_289 : i32 to vector<16xi32>
      %gather3A_294 = tpu.vector_load_idx %arg11[%iota3A, %broadcast_in_dim3A_292] : memref<32x128xf32, #tpu.memory_space<vmem>>[vector<16xi32>, vector<16xi32>], vector<16xf32>,
      %gather3A_295 = tpu.vector_load_idx %arg11[%add3A_5, %broadcast_in_dim3A_292] : memref<32x128xf32, #tpu.memory_space<vmem>>[vector<16xi32>, vector<16xi32>], vector<16xf32>,
      tpu.vector_store_idx %arg6[%iota3A, %broadcast_in_dim3A_293], %gather3A_294 : memref<32x512xf32, #tpu.memory_space<vmem>>[vector<16xi32>, vector<16xi32>], vector<16xf32>,
      tpu.vector_store_idx %arg6[%add3A_5, %broadcast_in_dim3A_293], %gather3A_295 : memref<32x512xf32, #tpu.memory_space<vmem>>[vector<16xi32>, vector<16xi32>], vector<16xf32>,
      %lt3A_296 = arith.constant 31 : i32
      %lt3A_297 = arith.cmpi slt, %scan3A_181, %lt3A_296 : i32
      %convert_element_type3A_298 = arith.extui %lt3A_297 : i1 to i32
      %cond3A_299 = arith.constant 0 : i32
      %cond3A_300 = arith.cmpi ne, %convert_element_type3A_298, %cond3A_299 : i32
      scf.if %cond3A_300 {
        %slice3A_554 = vector.extract_strided_slice %get3A_192 {offsets = [4], sizes = [1], strides = [1]} : vector<16xi32> to vector<1xi32>
        %squeeze3A_555 = vector.extract %slice3A_554[0] : i32 from vector<1xi32>
        %shift_right_arithmetic3A_556 = arith.constant 7 : i32
        %shift_right_arithmetic3A_557 = arith.shrsi %squeeze3A_555, %shift_right_arithmetic3A_556 : i32
        %shift_left3A_558 = arith.constant 7 : i32
        %shift_left3A_559 = arith.shli %shift_right_arithmetic3A_557, %shift_left3A_558 : i32
        %multiple_of3A_560 = tpu.assume_multiple %shift_left3A_559, 128 : i32
        %dma_start3A_561 = arith.constant 0 : i32
        %dma_start3A_562 = tpu.memref_slice %arg3[%dma_start3A_561, %multiple_of3A_560] : memref<32x1000000xf32, #tpu.memory_space<hbm>> -> memref<32x128xf32, #tpu.memory_space<hbm>>
        %dma_start3A_563 = arith.constant 0 : i32
        %dma_start3A_564 = tpu.memref_slice %arg3[%dma_start3A_563, %multiple_of3A_560] : memref<32x1000000xf32, #tpu.memory_space<hbm>> -> memref<32x128xf32, #tpu.memory_space<hbm>>
        tpu.enqueue_dma source(%dma_start3A_564 : memref<32x128xf32, #tpu.memory_space<hbm>>) target(%arg11 : memref<32x128xf32, #tpu.memory_space<vmem>>) target_semaphore(%arg27 : memref<!tpu.dma_semaphore, #tpu.memory_space<semaphore_mem>>)
      } else {
      }
      %dma_wait3A_301 = arith.constant 0 : i32
      %dma_wait3A_302 = arith.constant 0 : i32
      %dma_wait3A_303 = tpu.memref_slice %arg3[%dma_wait3A_301, %dma_wait3A_302] : memref<32x1000000xf32, #tpu.memory_space<hbm>> -> memref<32x128xf32, #tpu.memory_space<hbm>>
      %dma_wait3A_304 = arith.constant 0 : i32
      %dma_wait3A_305 = arith.constant 0 : i32
      %dma_wait3A_306 = tpu.memref_slice %arg3[%dma_wait3A_304, %dma_wait3A_305] : memref<32x1000000xf32, #tpu.memory_space<hbm>> -> memref<32x128xf32, #tpu.memory_space<hbm>>
      tpu.wait_dma2 semaphore(%arg28 : memref<!tpu.dma_semaphore, #tpu.memory_space<semaphore_mem>>) src(%dma_wait3A_306 : memref<32x128xf32, #tpu.memory_space<hbm>>) dst(%arg12 : memref<32x128xf32, #tpu.memory_space<vmem>>)
      %slice3A_307 = vector.extract_strided_slice %get3A_185 {offsets = [5], sizes = [1], strides = [1]} : vector<16xi32> to vector<1xi32>
      %squeeze3A_308 = vector.extract %slice3A_307[0] : i32 from vector<1xi32>
      %mul3A_309 = arith.constant 16 : i32
      %mul3A_310 = arith.muli %scan3A_181, %mul3A_309 : i32
      %add3A_311 = arith.constant 5 : i32
      %add3A_312 = arith.addi %mul3A_310, %add3A_311 : i32
      %and3A_313 = arith.constant 127 : i32
      %and3A_314 = arith.andi %squeeze3A_308, %and3A_313 : i32
      %broadcast_in_dim3A_315 = vector.broadcast %and3A_314 : i32 to vector<16xi32>
      %broadcast_in_dim3A_316 = vector.broadcast %add3A_312 : i32 to vector<16xi32>
      %gather3A_317 = tpu.vector_load_idx %arg12[%iota3A, %broadcast_in_dim3A_315] : memref<32x128xf32, #tpu.memory_space<vmem>>[vector<16xi32>, vector<16xi32>], vector<16xf32>,
      %gather3A_318 = tpu.vector_load_idx %arg12[%add3A_5, %broadcast_in_dim3A_315] : memref<32x128xf32, #tpu.memory_space<vmem>>[vector<16xi32>, vector<16xi32>], vector<16xf32>,
      tpu.vector_store_idx %arg6[%iota3A, %broadcast_in_dim3A_316], %gather3A_317 : memref<32x512xf32, #tpu.memory_space<vmem>>[vector<16xi32>, vector<16xi32>], vector<16xf32>,
      tpu.vector_store_idx %arg6[%add3A_5, %broadcast_in_dim3A_316], %gather3A_318 : memref<32x512xf32, #tpu.memory_space<vmem>>[vector<16xi32>, vector<16xi32>], vector<16xf32>,
      %lt3A_319 = arith.constant 31 : i32
      %lt3A_320 = arith.cmpi slt, %scan3A_181, %lt3A_319 : i32
      %convert_element_type3A_321 = arith.extui %lt3A_320 : i1 to i32
      %cond3A_322 = arith.constant 0 : i32
      %cond3A_323 = arith.cmpi ne, %convert_element_type3A_321, %cond3A_322 : i32
      scf.if %cond3A_323 {
        %slice3A_554 = vector.extract_strided_slice %get3A_192 {offsets = [5], sizes = [1], strides = [1]} : vector<16xi32> to vector<1xi32>
        %squeeze3A_555 = vector.extract %slice3A_554[0] : i32 from vector<1xi32>
        %shift_right_arithmetic3A_556 = arith.constant 7 : i32
        %shift_right_arithmetic3A_557 = arith.shrsi %squeeze3A_555, %shift_right_arithmetic3A_556 : i32
        %shift_left3A_558 = arith.constant 7 : i32
        %shift_left3A_559 = arith.shli %shift_right_arithmetic3A_557, %shift_left3A_558 : i32
        %multiple_of3A_560 = tpu.assume_multiple %shift_left3A_559, 128 : i32
        %dma_start3A_561 = arith.constant 0 : i32
        %dma_start3A_562 = tpu.memref_slice %arg3[%dma_start3A_561, %multiple_of3A_560] : memref<32x1000000xf32, #tpu.memory_space<hbm>> -> memref<32x128xf32, #tpu.memory_space<hbm>>
        %dma_start3A_563 = arith.constant 0 : i32
        %dma_start3A_564 = tpu.memref_slice %arg3[%dma_start3A_563, %multiple_of3A_560] : memref<32x1000000xf32, #tpu.memory_space<hbm>> -> memref<32x128xf32, #tpu.memory_space<hbm>>
        tpu.enqueue_dma source(%dma_start3A_564 : memref<32x128xf32, #tpu.memory_space<hbm>>) target(%arg12 : memref<32x128xf32, #tpu.memory_space<vmem>>) target_semaphore(%arg28 : memref<!tpu.dma_semaphore, #tpu.memory_space<semaphore_mem>>)
      } else {
      }
      %dma_wait3A_324 = arith.constant 0 : i32
      %dma_wait3A_325 = arith.constant 0 : i32
      %dma_wait3A_326 = tpu.memref_slice %arg3[%dma_wait3A_324, %dma_wait3A_325] : memref<32x1000000xf32, #tpu.memory_space<hbm>> -> memref<32x128xf32, #tpu.memory_space<hbm>>
      %dma_wait3A_327 = arith.constant 0 : i32
      %dma_wait3A_328 = arith.constant 0 : i32
      %dma_wait3A_329 = tpu.memref_slice %arg3[%dma_wait3A_327, %dma_wait3A_328] : memref<32x1000000xf32, #tpu.memory_space<hbm>> -> memref<32x128xf32, #tpu.memory_space<hbm>>
      tpu.wait_dma2 semaphore(%arg29 : memref<!tpu.dma_semaphore, #tpu.memory_space<semaphore_mem>>) src(%dma_wait3A_329 : memref<32x128xf32, #tpu.memory_space<hbm>>) dst(%arg13 : memref<32x128xf32, #tpu.memory_space<vmem>>)
      %slice3A_330 = vector.extract_strided_slice %get3A_185 {offsets = [6], sizes = [1], strides = [1]} : vector<16xi32> to vector<1xi32>
      %squeeze3A_331 = vector.extract %slice3A_330[0] : i32 from vector<1xi32>
      %mul3A_332 = arith.constant 16 : i32
      %mul3A_333 = arith.muli %scan3A_181, %mul3A_332 : i32
      %add3A_334 = arith.constant 6 : i32
      %add3A_335 = arith.addi %mul3A_333, %add3A_334 : i32
      %and3A_336 = arith.constant 127 : i32
      %and3A_337 = arith.andi %squeeze3A_331, %and3A_336 : i32
      %broadcast_in_dim3A_338 = vector.broadcast %and3A_337 : i32 to vector<16xi32>
      %broadcast_in_dim3A_339 = vector.broadcast %add3A_335 : i32 to vector<16xi32>
      %gather3A_340 = tpu.vector_load_idx %arg13[%iota3A, %broadcast_in_dim3A_338] : memref<32x128xf32, #tpu.memory_space<vmem>>[vector<16xi32>, vector<16xi32>], vector<16xf32>,
      %gather3A_341 = tpu.vector_load_idx %arg13[%add3A_5, %broadcast_in_dim3A_338] : memref<32x128xf32, #tpu.memory_space<vmem>>[vector<16xi32>, vector<16xi32>], vector<16xf32>,
      tpu.vector_store_idx %arg6[%iota3A, %broadcast_in_dim3A_339], %gather3A_340 : memref<32x512xf32, #tpu.memory_space<vmem>>[vector<16xi32>, vector<16xi32>], vector<16xf32>,
      tpu.vector_store_idx %arg6[%add3A_5, %broadcast_in_dim3A_339], %gather3A_341 : memref<32x512xf32, #tpu.memory_space<vmem>>[vector<16xi32>, vector<16xi32>], vector<16xf32>,
      %lt3A_342 = arith.constant 31 : i32
      %lt3A_343 = arith.cmpi slt, %scan3A_181, %lt3A_342 : i32
      %convert_element_type3A_344 = arith.extui %lt3A_343 : i1 to i32
      %cond3A_345 = arith.constant 0 : i32
      %cond3A_346 = arith.cmpi ne, %convert_element_type3A_344, %cond3A_345 : i32
      scf.if %cond3A_346 {
        %slice3A_554 = vector.extract_strided_slice %get3A_192 {offsets = [6], sizes = [1], strides = [1]} : vector<16xi32> to vector<1xi32>
        %squeeze3A_555 = vector.extract %slice3A_554[0] : i32 from vector<1xi32>
        %shift_right_arithmetic3A_556 = arith.constant 7 : i32
        %shift_right_arithmetic3A_557 = arith.shrsi %squeeze3A_555, %shift_right_arithmetic3A_556 : i32
        %shift_left3A_558 = arith.constant 7 : i32
        %shift_left3A_559 = arith.shli %shift_right_arithmetic3A_557, %shift_left3A_558 : i32
        %multiple_of3A_560 = tpu.assume_multiple %shift_left3A_559, 128 : i32
        %dma_start3A_561 = arith.constant 0 : i32
        %dma_start3A_562 = tpu.memref_slice %arg3[%dma_start3A_561, %multiple_of3A_560] : memref<32x1000000xf32, #tpu.memory_space<hbm>> -> memref<32x128xf32, #tpu.memory_space<hbm>>
        %dma_start3A_563 = arith.constant 0 : i32
        %dma_start3A_564 = tpu.memref_slice %arg3[%dma_start3A_563, %multiple_of3A_560] : memref<32x1000000xf32, #tpu.memory_space<hbm>> -> memref<32x128xf32, #tpu.memory_space<hbm>>
        tpu.enqueue_dma source(%dma_start3A_564 : memref<32x128xf32, #tpu.memory_space<hbm>>) target(%arg13 : memref<32x128xf32, #tpu.memory_space<vmem>>) target_semaphore(%arg29 : memref<!tpu.dma_semaphore, #tpu.memory_space<semaphore_mem>>)
      } else {
      }
      %dma_wait3A_347 = arith.constant 0 : i32
      %dma_wait3A_348 = arith.constant 0 : i32
      %dma_wait3A_349 = tpu.memref_slice %arg3[%dma_wait3A_347, %dma_wait3A_348] : memref<32x1000000xf32, #tpu.memory_space<hbm>> -> memref<32x128xf32, #tpu.memory_space<hbm>>
      %dma_wait3A_350 = arith.constant 0 : i32
      %dma_wait3A_351 = arith.constant 0 : i32
      %dma_wait3A_352 = tpu.memref_slice %arg3[%dma_wait3A_350, %dma_wait3A_351] : memref<32x1000000xf32, #tpu.memory_space<hbm>> -> memref<32x128xf32, #tpu.memory_space<hbm>>
      tpu.wait_dma2 semaphore(%arg30 : memref<!tpu.dma_semaphore, #tpu.memory_space<semaphore_mem>>) src(%dma_wait3A_352 : memref<32x128xf32, #tpu.memory_space<hbm>>) dst(%arg14 : memref<32x128xf32, #tpu.memory_space<vmem>>)
      %slice3A_353 = vector.extract_strided_slice %get3A_185 {offsets = [7], sizes = [1], strides = [1]} : vector<16xi32> to vector<1xi32>
      %squeeze3A_354 = vector.extract %slice3A_353[0] : i32 from vector<1xi32>
      %mul3A_355 = arith.constant 16 : i32
      %mul3A_356 = arith.muli %scan3A_181, %mul3A_355 : i32
      %add3A_357 = arith.constant 7 : i32
      %add3A_358 = arith.addi %mul3A_356, %add3A_357 : i32
      %and3A_359 = arith.constant 127 : i32
      %and3A_360 = arith.andi %squeeze3A_354, %and3A_359 : i32
      %broadcast_in_dim3A_361 = vector.broadcast %and3A_360 : i32 to vector<16xi32>
      %broadcast_in_dim3A_362 = vector.broadcast %add3A_358 : i32 to vector<16xi32>
      %gather3A_363 = tpu.vector_load_idx %arg14[%iota3A, %broadcast_in_dim3A_361] : memref<32x128xf32, #tpu.memory_space<vmem>>[vector<16xi32>, vector<16xi32>], vector<16xf32>,
      %gather3A_364 = tpu.vector_load_idx %arg14[%add3A_5, %broadcast_in_dim3A_361] : memref<32x128xf32, #tpu.memory_space<vmem>>[vector<16xi32>, vector<16xi32>], vector<16xf32>,
      tpu.vector_store_idx %arg6[%iota3A, %broadcast_in_dim3A_362], %gather3A_363 : memref<32x512xf32, #tpu.memory_space<vmem>>[vector<16xi32>, vector<16xi32>], vector<16xf32>,
      tpu.vector_store_idx %arg6[%add3A_5, %broadcast_in_dim3A_362], %gather3A_364 : memref<32x512xf32, #tpu.memory_space<vmem>>[vector<16xi32>, vector<16xi32>], vector<16xf32>,
      %lt3A_365 = arith.constant 31 : i32
      %lt3A_366 = arith.cmpi slt, %scan3A_181, %lt3A_365 : i32
      %convert_element_type3A_367 = arith.extui %lt3A_366 : i1 to i32
      %cond3A_368 = arith.constant 0 : i32
      %cond3A_369 = arith.cmpi ne, %convert_element_type3A_367, %cond3A_368 : i32
      scf.if %cond3A_369 {
        %slice3A_554 = vector.extract_strided_slice %get3A_192 {offsets = [7], sizes = [1], strides = [1]} : vector<16xi32> to vector<1xi32>
        %squeeze3A_555 = vector.extract %slice3A_554[0] : i32 from vector<1xi32>
        %shift_right_arithmetic3A_556 = arith.constant 7 : i32
        %shift_right_arithmetic3A_557 = arith.shrsi %squeeze3A_555, %shift_right_arithmetic3A_556 : i32
        %shift_left3A_558 = arith.constant 7 : i32
        %shift_left3A_559 = arith.shli %shift_right_arithmetic3A_557, %shift_left3A_558 : i32
        %multiple_of3A_560 = tpu.assume_multiple %shift_left3A_559, 128 : i32
        %dma_start3A_561 = arith.constant 0 : i32
        %dma_start3A_562 = tpu.memref_slice %arg3[%dma_start3A_561, %multiple_of3A_560] : memref<32x1000000xf32, #tpu.memory_space<hbm>> -> memref<32x128xf32, #tpu.memory_space<hbm>>
        %dma_start3A_563 = arith.constant 0 : i32
        %dma_start3A_564 = tpu.memref_slice %arg3[%dma_start3A_563, %multiple_of3A_560] : memref<32x1000000xf32, #tpu.memory_space<hbm>> -> memref<32x128xf32, #tpu.memory_space<hbm>>
        tpu.enqueue_dma source(%dma_start3A_564 : memref<32x128xf32, #tpu.memory_space<hbm>>) target(%arg14 : memref<32x128xf32, #tpu.memory_space<vmem>>) target_semaphore(%arg30 : memref<!tpu.dma_semaphore, #tpu.memory_space<semaphore_mem>>)
      } else {
      }
      %dma_wait3A_370 = arith.constant 0 : i32
      %dma_wait3A_371 = arith.constant 0 : i32
      %dma_wait3A_372 = tpu.memref_slice %arg3[%dma_wait3A_370, %dma_wait3A_371] : memref<32x1000000xf32, #tpu.memory_space<hbm>> -> memref<32x128xf32, #tpu.memory_space<hbm>>
      %dma_wait3A_373 = arith.constant 0 : i32
      %dma_wait3A_374 = arith.constant 0 : i32
      %dma_wait3A_375 = tpu.memref_slice %arg3[%dma_wait3A_373, %dma_wait3A_374] : memref<32x1000000xf32, #tpu.memory_space<hbm>> -> memref<32x128xf32, #tpu.memory_space<hbm>>
      tpu.wait_dma2 semaphore(%arg31 : memref<!tpu.dma_semaphore, #tpu.memory_space<semaphore_mem>>) src(%dma_wait3A_375 : memref<32x128xf32, #tpu.memory_space<hbm>>) dst(%arg15 : memref<32x128xf32, #tpu.memory_space<vmem>>)
      %slice3A_376 = vector.extract_strided_slice %get3A_185 {offsets = [8], sizes = [1], strides = [1]} : vector<16xi32> to vector<1xi32>
      %squeeze3A_377 = vector.extract %slice3A_376[0] : i32 from vector<1xi32>
      %mul3A_378 = arith.constant 16 : i32
      %mul3A_379 = arith.muli %scan3A_181, %mul3A_378 : i32
      %add3A_380 = arith.constant 8 : i32
      %add3A_381 = arith.addi %mul3A_379, %add3A_380 : i32
      %and3A_382 = arith.constant 127 : i32
      %and3A_383 = arith.andi %squeeze3A_377, %and3A_382 : i32
      %broadcast_in_dim3A_384 = vector.broadcast %and3A_383 : i32 to vector<16xi32>
      %broadcast_in_dim3A_385 = vector.broadcast %add3A_381 : i32 to vector<16xi32>
      %gather3A_386 = tpu.vector_load_idx %arg15[%iota3A, %broadcast_in_dim3A_384] : memref<32x128xf32, #tpu.memory_space<vmem>>[vector<16xi32>, vector<16xi32>], vector<16xf32>,
      %gather3A_387 = tpu.vector_load_idx %arg15[%add3A_5, %broadcast_in_dim3A_384] : memref<32x128xf32, #tpu.memory_space<vmem>>[vector<16xi32>, vector<16xi32>], vector<16xf32>,
      tpu.vector_store_idx %arg6[%iota3A, %broadcast_in_dim3A_385], %gather3A_386 : memref<32x512xf32, #tpu.memory_space<vmem>>[vector<16xi32>, vector<16xi32>], vector<16xf32>,
      tpu.vector_store_idx %arg6[%add3A_5, %broadcast_in_dim3A_385], %gather3A_387 : memref<32x512xf32, #tpu.memory_space<vmem>>[vector<16xi32>, vector<16xi32>], vector<16xf32>,
      %lt3A_388 = arith.constant 31 : i32
      %lt3A_389 = arith.cmpi slt, %scan3A_181, %lt3A_388 : i32
      %convert_element_type3A_390 = arith.extui %lt3A_389 : i1 to i32
      %cond3A_391 = arith.constant 0 : i32
      %cond3A_392 = arith.cmpi ne, %convert_element_type3A_390, %cond3A_391 : i32
      scf.if %cond3A_392 {
        %slice3A_554 = vector.extract_strided_slice %get3A_192 {offsets = [8], sizes = [1], strides = [1]} : vector<16xi32> to vector<1xi32>
        %squeeze3A_555 = vector.extract %slice3A_554[0] : i32 from vector<1xi32>
        %shift_right_arithmetic3A_556 = arith.constant 7 : i32
        %shift_right_arithmetic3A_557 = arith.shrsi %squeeze3A_555, %shift_right_arithmetic3A_556 : i32
        %shift_left3A_558 = arith.constant 7 : i32
        %shift_left3A_559 = arith.shli %shift_right_arithmetic3A_557, %shift_left3A_558 : i32
        %multiple_of3A_560 = tpu.assume_multiple %shift_left3A_559, 128 : i32
        %dma_start3A_561 = arith.constant 0 : i32
        %dma_start3A_562 = tpu.memref_slice %arg3[%dma_start3A_561, %multiple_of3A_560] : memref<32x1000000xf32, #tpu.memory_space<hbm>> -> memref<32x128xf32, #tpu.memory_space<hbm>>
        %dma_start3A_563 = arith.constant 0 : i32
        %dma_start3A_564 = tpu.memref_slice %arg3[%dma_start3A_563, %multiple_of3A_560] : memref<32x1000000xf32, #tpu.memory_space<hbm>> -> memref<32x128xf32, #tpu.memory_space<hbm>>
        tpu.enqueue_dma source(%dma_start3A_564 : memref<32x128xf32, #tpu.memory_space<hbm>>) target(%arg15 : memref<32x128xf32, #tpu.memory_space<vmem>>) target_semaphore(%arg31 : memref<!tpu.dma_semaphore, #tpu.memory_space<semaphore_mem>>)
      } else {
      }
      %dma_wait3A_393 = arith.constant 0 : i32
      %dma_wait3A_394 = arith.constant 0 : i32
      %dma_wait3A_395 = tpu.memref_slice %arg3[%dma_wait3A_393, %dma_wait3A_394] : memref<32x1000000xf32, #tpu.memory_space<hbm>> -> memref<32x128xf32, #tpu.memory_space<hbm>>
      %dma_wait3A_396 = arith.constant 0 : i32
      %dma_wait3A_397 = arith.constant 0 : i32
      %dma_wait3A_398 = tpu.memref_slice %arg3[%dma_wait3A_396, %dma_wait3A_397] : memref<32x1000000xf32, #tpu.memory_space<hbm>> -> memref<32x128xf32, #tpu.memory_space<hbm>>
      tpu.wait_dma2 semaphore(%arg32 : memref<!tpu.dma_semaphore, #tpu.memory_space<semaphore_mem>>) src(%dma_wait3A_398 : memref<32x128xf32, #tpu.memory_space<hbm>>) dst(%arg16 : memref<32x128xf32, #tpu.memory_space<vmem>>)
      %slice3A_399 = vector.extract_strided_slice %get3A_185 {offsets = [9], sizes = [1], strides = [1]} : vector<16xi32> to vector<1xi32>
      %squeeze3A_400 = vector.extract %slice3A_399[0] : i32 from vector<1xi32>
      %mul3A_401 = arith.constant 16 : i32
      %mul3A_402 = arith.muli %scan3A_181, %mul3A_401 : i32
      %add3A_403 = arith.constant 9 : i32
      %add3A_404 = arith.addi %mul3A_402, %add3A_403 : i32
      %and3A_405 = arith.constant 127 : i32
      %and3A_406 = arith.andi %squeeze3A_400, %and3A_405 : i32
      %broadcast_in_dim3A_407 = vector.broadcast %and3A_406 : i32 to vector<16xi32>
      %broadcast_in_dim3A_408 = vector.broadcast %add3A_404 : i32 to vector<16xi32>
      %gather3A_409 = tpu.vector_load_idx %arg16[%iota3A, %broadcast_in_dim3A_407] : memref<32x128xf32, #tpu.memory_space<vmem>>[vector<16xi32>, vector<16xi32>], vector<16xf32>,
      %gather3A_410 = tpu.vector_load_idx %arg16[%add3A_5, %broadcast_in_dim3A_407] : memref<32x128xf32, #tpu.memory_space<vmem>>[vector<16xi32>, vector<16xi32>], vector<16xf32>,
      tpu.vector_store_idx %arg6[%iota3A, %broadcast_in_dim3A_408], %gather3A_409 : memref<32x512xf32, #tpu.memory_space<vmem>>[vector<16xi32>, vector<16xi32>], vector<16xf32>,
      tpu.vector_store_idx %arg6[%add3A_5, %broadcast_in_dim3A_408], %gather3A_410 : memref<32x512xf32, #tpu.memory_space<vmem>>[vector<16xi32>, vector<16xi32>], vector<16xf32>,
      %lt3A_411 = arith.constant 31 : i32
      %lt3A_412 = arith.cmpi slt, %scan3A_181, %lt3A_411 : i32
      %convert_element_type3A_413 = arith.extui %lt3A_412 : i1 to i32
      %cond3A_414 = arith.constant 0 : i32
      %cond3A_415 = arith.cmpi ne, %convert_element_type3A_413, %cond3A_414 : i32
      scf.if %cond3A_415 {
        %slice3A_554 = vector.extract_strided_slice %get3A_192 {offsets = [9], sizes = [1], strides = [1]} : vector<16xi32> to vector<1xi32>
        %squeeze3A_555 = vector.extract %slice3A_554[0] : i32 from vector<1xi32>
        %shift_right_arithmetic3A_556 = arith.constant 7 : i32
        %shift_right_arithmetic3A_557 = arith.shrsi %squeeze3A_555, %shift_right_arithmetic3A_556 : i32
        %shift_left3A_558 = arith.constant 7 : i32
        %shift_left3A_559 = arith.shli %shift_right_arithmetic3A_557, %shift_left3A_558 : i32
        %multiple_of3A_560 = tpu.assume_multiple %shift_left3A_559, 128 : i32
        %dma_start3A_561 = arith.constant 0 : i32
        %dma_start3A_562 = tpu.memref_slice %arg3[%dma_start3A_561, %multiple_of3A_560] : memref<32x1000000xf32, #tpu.memory_space<hbm>> -> memref<32x128xf32, #tpu.memory_space<hbm>>
        %dma_start3A_563 = arith.constant 0 : i32
        %dma_start3A_564 = tpu.memref_slice %arg3[%dma_start3A_563, %multiple_of3A_560] : memref<32x1000000xf32, #tpu.memory_space<hbm>> -> memref<32x128xf32, #tpu.memory_space<hbm>>
        tpu.enqueue_dma source(%dma_start3A_564 : memref<32x128xf32, #tpu.memory_space<hbm>>) target(%arg16 : memref<32x128xf32, #tpu.memory_space<vmem>>) target_semaphore(%arg32 : memref<!tpu.dma_semaphore, #tpu.memory_space<semaphore_mem>>)
      } else {
      }
      %dma_wait3A_416 = arith.constant 0 : i32
      %dma_wait3A_417 = arith.constant 0 : i32
      %dma_wait3A_418 = tpu.memref_slice %arg3[%dma_wait3A_416, %dma_wait3A_417] : memref<32x1000000xf32, #tpu.memory_space<hbm>> -> memref<32x128xf32, #tpu.memory_space<hbm>>
      %dma_wait3A_419 = arith.constant 0 : i32
      %dma_wait3A_420 = arith.constant 0 : i32
      %dma_wait3A_421 = tpu.memref_slice %arg3[%dma_wait3A_419, %dma_wait3A_420] : memref<32x1000000xf32, #tpu.memory_space<hbm>> -> memref<32x128xf32, #tpu.memory_space<hbm>>
      tpu.wait_dma2 semaphore(%arg33 : memref<!tpu.dma_semaphore, #tpu.memory_space<semaphore_mem>>) src(%dma_wait3A_421 : memref<32x128xf32, #tpu.memory_space<hbm>>) dst(%arg17 : memref<32x128xf32, #tpu.memory_space<vmem>>)
      %slice3A_422 = vector.extract_strided_slice %get3A_185 {offsets = [10], sizes = [1], strides = [1]} : vector<16xi32> to vector<1xi32>
      %squeeze3A_423 = vector.extract %slice3A_422[0] : i32 from vector<1xi32>
      %mul3A_424 = arith.constant 16 : i32
      %mul3A_425 = arith.muli %scan3A_181, %mul3A_424 : i32
      %add3A_426 = arith.constant 10 : i32
      %add3A_427 = arith.addi %mul3A_425, %add3A_426 : i32
      %and3A_428 = arith.constant 127 : i32
      %and3A_429 = arith.andi %squeeze3A_423, %and3A_428 : i32
      %broadcast_in_dim3A_430 = vector.broadcast %and3A_429 : i32 to vector<16xi32>
      %broadcast_in_dim3A_431 = vector.broadcast %add3A_427 : i32 to vector<16xi32>
      %gather3A_432 = tpu.vector_load_idx %arg17[%iota3A, %broadcast_in_dim3A_430] : memref<32x128xf32, #tpu.memory_space<vmem>>[vector<16xi32>, vector<16xi32>], vector<16xf32>,
      %gather3A_433 = tpu.vector_load_idx %arg17[%add3A_5, %broadcast_in_dim3A_430] : memref<32x128xf32, #tpu.memory_space<vmem>>[vector<16xi32>, vector<16xi32>], vector<16xf32>,
      tpu.vector_store_idx %arg6[%iota3A, %broadcast_in_dim3A_431], %gather3A_432 : memref<32x512xf32, #tpu.memory_space<vmem>>[vector<16xi32>, vector<16xi32>], vector<16xf32>,
      tpu.vector_store_idx %arg6[%add3A_5, %broadcast_in_dim3A_431], %gather3A_433 : memref<32x512xf32, #tpu.memory_space<vmem>>[vector<16xi32>, vector<16xi32>], vector<16xf32>,
      %lt3A_434 = arith.constant 31 : i32
      %lt3A_435 = arith.cmpi slt, %scan3A_181, %lt3A_434 : i32
      %convert_element_type3A_436 = arith.extui %lt3A_435 : i1 to i32
      %cond3A_437 = arith.constant 0 : i32
      %cond3A_438 = arith.cmpi ne, %convert_element_type3A_436, %cond3A_437 : i32
      scf.if %cond3A_438 {
        %slice3A_554 = vector.extract_strided_slice %get3A_192 {offsets = [10], sizes = [1], strides = [1]} : vector<16xi32> to vector<1xi32>
        %squeeze3A_555 = vector.extract %slice3A_554[0] : i32 from vector<1xi32>
        %shift_right_arithmetic3A_556 = arith.constant 7 : i32
        %shift_right_arithmetic3A_557 = arith.shrsi %squeeze3A_555, %shift_right_arithmetic3A_556 : i32
        %shift_left3A_558 = arith.constant 7 : i32
        %shift_left3A_559 = arith.shli %shift_right_arithmetic3A_557, %shift_left3A_558 : i32
        %multiple_of3A_560 = tpu.assume_multiple %shift_left3A_559, 128 : i32
        %dma_start3A_561 = arith.constant 0 : i32
        %dma_start3A_562 = tpu.memref_slice %arg3[%dma_start3A_561, %multiple_of3A_560] : memref<32x1000000xf32, #tpu.memory_space<hbm>> -> memref<32x128xf32, #tpu.memory_space<hbm>>
        %dma_start3A_563 = arith.constant 0 : i32
        %dma_start3A_564 = tpu.memref_slice %arg3[%dma_start3A_563, %multiple_of3A_560] : memref<32x1000000xf32, #tpu.memory_space<hbm>> -> memref<32x128xf32, #tpu.memory_space<hbm>>
        tpu.enqueue_dma source(%dma_start3A_564 : memref<32x128xf32, #tpu.memory_space<hbm>>) target(%arg17 : memref<32x128xf32, #tpu.memory_space<vmem>>) target_semaphore(%arg33 : memref<!tpu.dma_semaphore, #tpu.memory_space<semaphore_mem>>)
      } else {
      }
      %dma_wait3A_439 = arith.constant 0 : i32
      %dma_wait3A_440 = arith.constant 0 : i32
      %dma_wait3A_441 = tpu.memref_slice %arg3[%dma_wait3A_439, %dma_wait3A_440] : memref<32x1000000xf32, #tpu.memory_space<hbm>> -> memref<32x128xf32, #tpu.memory_space<hbm>>
      %dma_wait3A_442 = arith.constant 0 : i32
      %dma_wait3A_443 = arith.constant 0 : i32
      %dma_wait3A_444 = tpu.memref_slice %arg3[%dma_wait3A_442, %dma_wait3A_443] : memref<32x1000000xf32, #tpu.memory_space<hbm>> -> memref<32x128xf32, #tpu.memory_space<hbm>>
      tpu.wait_dma2 semaphore(%arg34 : memref<!tpu.dma_semaphore, #tpu.memory_space<semaphore_mem>>) src(%dma_wait3A_444 : memref<32x128xf32, #tpu.memory_space<hbm>>) dst(%arg18 : memref<32x128xf32, #tpu.memory_space<vmem>>)
      %slice3A_445 = vector.extract_strided_slice %get3A_185 {offsets = [11], sizes = [1], strides = [1]} : vector<16xi32> to vector<1xi32>
      %squeeze3A_446 = vector.extract %slice3A_445[0] : i32 from vector<1xi32>
      %mul3A_447 = arith.constant 16 : i32
      %mul3A_448 = arith.muli %scan3A_181, %mul3A_447 : i32
      %add3A_449 = arith.constant 11 : i32
      %add3A_450 = arith.addi %mul3A_448, %add3A_449 : i32
      %and3A_451 = arith.constant 127 : i32
      %and3A_452 = arith.andi %squeeze3A_446, %and3A_451 : i32
      %broadcast_in_dim3A_453 = vector.broadcast %and3A_452 : i32 to vector<16xi32>
      %broadcast_in_dim3A_454 = vector.broadcast %add3A_450 : i32 to vector<16xi32>
      %gather3A_455 = tpu.vector_load_idx %arg18[%iota3A, %broadcast_in_dim3A_453] : memref<32x128xf32, #tpu.memory_space<vmem>>[vector<16xi32>, vector<16xi32>], vector<16xf32>,
      %gather3A_456 = tpu.vector_load_idx %arg18[%add3A_5, %broadcast_in_dim3A_453] : memref<32x128xf32, #tpu.memory_space<vmem>>[vector<16xi32>, vector<16xi32>], vector<16xf32>,
      tpu.vector_store_idx %arg6[%iota3A, %broadcast_in_dim3A_454], %gather3A_455 : memref<32x512xf32, #tpu.memory_space<vmem>>[vector<16xi32>, vector<16xi32>], vector<16xf32>,
      tpu.vector_store_idx %arg6[%add3A_5, %broadcast_in_dim3A_454], %gather3A_456 : memref<32x512xf32, #tpu.memory_space<vmem>>[vector<16xi32>, vector<16xi32>], vector<16xf32>,
      %lt3A_457 = arith.constant 31 : i32
      %lt3A_458 = arith.cmpi slt, %scan3A_181, %lt3A_457 : i32
      %convert_element_type3A_459 = arith.extui %lt3A_458 : i1 to i32
      %cond3A_460 = arith.constant 0 : i32
      %cond3A_461 = arith.cmpi ne, %convert_element_type3A_459, %cond3A_460 : i32
      scf.if %cond3A_461 {
        %slice3A_554 = vector.extract_strided_slice %get3A_192 {offsets = [11], sizes = [1], strides = [1]} : vector<16xi32> to vector<1xi32>
        %squeeze3A_555 = vector.extract %slice3A_554[0] : i32 from vector<1xi32>
        %shift_right_arithmetic3A_556 = arith.constant 7 : i32
        %shift_right_arithmetic3A_557 = arith.shrsi %squeeze3A_555, %shift_right_arithmetic3A_556 : i32
        %shift_left3A_558 = arith.constant 7 : i32
        %shift_left3A_559 = arith.shli %shift_right_arithmetic3A_557, %shift_left3A_558 : i32
        %multiple_of3A_560 = tpu.assume_multiple %shift_left3A_559, 128 : i32
        %dma_start3A_561 = arith.constant 0 : i32
        %dma_start3A_562 = tpu.memref_slice %arg3[%dma_start3A_561, %multiple_of3A_560] : memref<32x1000000xf32, #tpu.memory_space<hbm>> -> memref<32x128xf32, #tpu.memory_space<hbm>>
        %dma_start3A_563 = arith.constant 0 : i32
        %dma_start3A_564 = tpu.memref_slice %arg3[%dma_start3A_563, %multiple_of3A_560] : memref<32x1000000xf32, #tpu.memory_space<hbm>> -> memref<32x128xf32, #tpu.memory_space<hbm>>
        tpu.enqueue_dma source(%dma_start3A_564 : memref<32x128xf32, #tpu.memory_space<hbm>>) target(%arg18 : memref<32x128xf32, #tpu.memory_space<vmem>>) target_semaphore(%arg34 : memref<!tpu.dma_semaphore, #tpu.memory_space<semaphore_mem>>)
      } else {
      }
      %dma_wait3A_462 = arith.constant 0 : i32
      %dma_wait3A_463 = arith.constant 0 : i32
      %dma_wait3A_464 = tpu.memref_slice %arg3[%dma_wait3A_462, %dma_wait3A_463] : memref<32x1000000xf32, #tpu.memory_space<hbm>> -> memref<32x128xf32, #tpu.memory_space<hbm>>
      %dma_wait3A_465 = arith.constant 0 : i32
      %dma_wait3A_466 = arith.constant 0 : i32
      %dma_wait3A_467 = tpu.memref_slice %arg3[%dma_wait3A_465, %dma_wait3A_466] : memref<32x1000000xf32, #tpu.memory_space<hbm>> -> memref<32x128xf32, #tpu.memory_space<hbm>>
      tpu.wait_dma2 semaphore(%arg35 : memref<!tpu.dma_semaphore, #tpu.memory_space<semaphore_mem>>) src(%dma_wait3A_467 : memref<32x128xf32, #tpu.memory_space<hbm>>) dst(%arg19 : memref<32x128xf32, #tpu.memory_space<vmem>>)
      %slice3A_468 = vector.extract_strided_slice %get3A_185 {offsets = [12], sizes = [1], strides = [1]} : vector<16xi32> to vector<1xi32>
      %squeeze3A_469 = vector.extract %slice3A_468[0] : i32 from vector<1xi32>
      %mul3A_470 = arith.constant 16 : i32
      %mul3A_471 = arith.muli %scan3A_181, %mul3A_470 : i32
      %add3A_472 = arith.constant 12 : i32
      %add3A_473 = arith.addi %mul3A_471, %add3A_472 : i32
      %and3A_474 = arith.constant 127 : i32
      %and3A_475 = arith.andi %squeeze3A_469, %and3A_474 : i32
      %broadcast_in_dim3A_476 = vector.broadcast %and3A_475 : i32 to vector<16xi32>
      %broadcast_in_dim3A_477 = vector.broadcast %add3A_473 : i32 to vector<16xi32>
      %gather3A_478 = tpu.vector_load_idx %arg19[%iota3A, %broadcast_in_dim3A_476] : memref<32x128xf32, #tpu.memory_space<vmem>>[vector<16xi32>, vector<16xi32>], vector<16xf32>,
      %gather3A_479 = tpu.vector_load_idx %arg19[%add3A_5, %broadcast_in_dim3A_476] : memref<32x128xf32, #tpu.memory_space<vmem>>[vector<16xi32>, vector<16xi32>], vector<16xf32>,
      tpu.vector_store_idx %arg6[%iota3A, %broadcast_in_dim3A_477], %gather3A_478 : memref<32x512xf32, #tpu.memory_space<vmem>>[vector<16xi32>, vector<16xi32>], vector<16xf32>,
      tpu.vector_store_idx %arg6[%add3A_5, %broadcast_in_dim3A_477], %gather3A_479 : memref<32x512xf32, #tpu.memory_space<vmem>>[vector<16xi32>, vector<16xi32>], vector<16xf32>,
      %lt3A_480 = arith.constant 31 : i32
      %lt3A_481 = arith.cmpi slt, %scan3A_181, %lt3A_480 : i32
      %convert_element_type3A_482 = arith.extui %lt3A_481 : i1 to i32
      %cond3A_483 = arith.constant 0 : i32
      %cond3A_484 = arith.cmpi ne, %convert_element_type3A_482, %cond3A_483 : i32
      scf.if %cond3A_484 {
        %slice3A_554 = vector.extract_strided_slice %get3A_192 {offsets = [12], sizes = [1], strides = [1]} : vector<16xi32> to vector<1xi32>
        %squeeze3A_555 = vector.extract %slice3A_554[0] : i32 from vector<1xi32>
        %shift_right_arithmetic3A_556 = arith.constant 7 : i32
        %shift_right_arithmetic3A_557 = arith.shrsi %squeeze3A_555, %shift_right_arithmetic3A_556 : i32
        %shift_left3A_558 = arith.constant 7 : i32
        %shift_left3A_559 = arith.shli %shift_right_arithmetic3A_557, %shift_left3A_558 : i32
        %multiple_of3A_560 = tpu.assume_multiple %shift_left3A_559, 128 : i32
        %dma_start3A_561 = arith.constant 0 : i32
        %dma_start3A_562 = tpu.memref_slice %arg3[%dma_start3A_561, %multiple_of3A_560] : memref<32x1000000xf32, #tpu.memory_space<hbm>> -> memref<32x128xf32, #tpu.memory_space<hbm>>
        %dma_start3A_563 = arith.constant 0 : i32
        %dma_start3A_564 = tpu.memref_slice %arg3[%dma_start3A_563, %multiple_of3A_560] : memref<32x1000000xf32, #tpu.memory_space<hbm>> -> memref<32x128xf32, #tpu.memory_space<hbm>>
        tpu.enqueue_dma source(%dma_start3A_564 : memref<32x128xf32, #tpu.memory_space<hbm>>) target(%arg19 : memref<32x128xf32, #tpu.memory_space<vmem>>) target_semaphore(%arg35 : memref<!tpu.dma_semaphore, #tpu.memory_space<semaphore_mem>>)
      } else {
      }
      %dma_wait3A_485 = arith.constant 0 : i32
      %dma_wait3A_486 = arith.constant 0 : i32
      %dma_wait3A_487 = tpu.memref_slice %arg3[%dma_wait3A_485, %dma_wait3A_486] : memref<32x1000000xf32, #tpu.memory_space<hbm>> -> memref<32x128xf32, #tpu.memory_space<hbm>>
      %dma_wait3A_488 = arith.constant 0 : i32
      %dma_wait3A_489 = arith.constant 0 : i32
      %dma_wait3A_490 = tpu.memref_slice %arg3[%dma_wait3A_488, %dma_wait3A_489] : memref<32x1000000xf32, #tpu.memory_space<hbm>> -> memref<32x128xf32, #tpu.memory_space<hbm>>
      tpu.wait_dma2 semaphore(%arg36 : memref<!tpu.dma_semaphore, #tpu.memory_space<semaphore_mem>>) src(%dma_wait3A_490 : memref<32x128xf32, #tpu.memory_space<hbm>>) dst(%arg20 : memref<32x128xf32, #tpu.memory_space<vmem>>)
      %slice3A_491 = vector.extract_strided_slice %get3A_185 {offsets = [13], sizes = [1], strides = [1]} : vector<16xi32> to vector<1xi32>
      %squeeze3A_492 = vector.extract %slice3A_491[0] : i32 from vector<1xi32>
      %mul3A_493 = arith.constant 16 : i32
      %mul3A_494 = arith.muli %scan3A_181, %mul3A_493 : i32
      %add3A_495 = arith.constant 13 : i32
      %add3A_496 = arith.addi %mul3A_494, %add3A_495 : i32
      %and3A_497 = arith.constant 127 : i32
      %and3A_498 = arith.andi %squeeze3A_492, %and3A_497 : i32
      %broadcast_in_dim3A_499 = vector.broadcast %and3A_498 : i32 to vector<16xi32>
      %broadcast_in_dim3A_500 = vector.broadcast %add3A_496 : i32 to vector<16xi32>
      %gather3A_501 = tpu.vector_load_idx %arg20[%iota3A, %broadcast_in_dim3A_499] : memref<32x128xf32, #tpu.memory_space<vmem>>[vector<16xi32>, vector<16xi32>], vector<16xf32>,
      %gather3A_502 = tpu.vector_load_idx %arg20[%add3A_5, %broadcast_in_dim3A_499] : memref<32x128xf32, #tpu.memory_space<vmem>>[vector<16xi32>, vector<16xi32>], vector<16xf32>,
      tpu.vector_store_idx %arg6[%iota3A, %broadcast_in_dim3A_500], %gather3A_501 : memref<32x512xf32, #tpu.memory_space<vmem>>[vector<16xi32>, vector<16xi32>], vector<16xf32>,
      tpu.vector_store_idx %arg6[%add3A_5, %broadcast_in_dim3A_500], %gather3A_502 : memref<32x512xf32, #tpu.memory_space<vmem>>[vector<16xi32>, vector<16xi32>], vector<16xf32>,
      %lt3A_503 = arith.constant 31 : i32
      %lt3A_504 = arith.cmpi slt, %scan3A_181, %lt3A_503 : i32
      %convert_element_type3A_505 = arith.extui %lt3A_504 : i1 to i32
      %cond3A_506 = arith.constant 0 : i32
      %cond3A_507 = arith.cmpi ne, %convert_element_type3A_505, %cond3A_506 : i32
      scf.if %cond3A_507 {
        %slice3A_554 = vector.extract_strided_slice %get3A_192 {offsets = [13], sizes = [1], strides = [1]} : vector<16xi32> to vector<1xi32>
        %squeeze3A_555 = vector.extract %slice3A_554[0] : i32 from vector<1xi32>
        %shift_right_arithmetic3A_556 = arith.constant 7 : i32
        %shift_right_arithmetic3A_557 = arith.shrsi %squeeze3A_555, %shift_right_arithmetic3A_556 : i32
        %shift_left3A_558 = arith.constant 7 : i32
        %shift_left3A_559 = arith.shli %shift_right_arithmetic3A_557, %shift_left3A_558 : i32
        %multiple_of3A_560 = tpu.assume_multiple %shift_left3A_559, 128 : i32
        %dma_start3A_561 = arith.constant 0 : i32
        %dma_start3A_562 = tpu.memref_slice %arg3[%dma_start3A_561, %multiple_of3A_560] : memref<32x1000000xf32, #tpu.memory_space<hbm>> -> memref<32x128xf32, #tpu.memory_space<hbm>>
        %dma_start3A_563 = arith.constant 0 : i32
        %dma_start3A_564 = tpu.memref_slice %arg3[%dma_start3A_563, %multiple_of3A_560] : memref<32x1000000xf32, #tpu.memory_space<hbm>> -> memref<32x128xf32, #tpu.memory_space<hbm>>
        tpu.enqueue_dma source(%dma_start3A_564 : memref<32x128xf32, #tpu.memory_space<hbm>>) target(%arg20 : memref<32x128xf32, #tpu.memory_space<vmem>>) target_semaphore(%arg36 : memref<!tpu.dma_semaphore, #tpu.memory_space<semaphore_mem>>)
      } else {
      }
      %dma_wait3A_508 = arith.constant 0 : i32
      %dma_wait3A_509 = arith.constant 0 : i32
      %dma_wait3A_510 = tpu.memref_slice %arg3[%dma_wait3A_508, %dma_wait3A_509] : memref<32x1000000xf32, #tpu.memory_space<hbm>> -> memref<32x128xf32, #tpu.memory_space<hbm>>
      %dma_wait3A_511 = arith.constant 0 : i32
      %dma_wait3A_512 = arith.constant 0 : i32
      %dma_wait3A_513 = tpu.memref_slice %arg3[%dma_wait3A_511, %dma_wait3A_512] : memref<32x1000000xf32, #tpu.memory_space<hbm>> -> memref<32x128xf32, #tpu.memory_space<hbm>>
      tpu.wait_dma2 semaphore(%arg37 : memref<!tpu.dma_semaphore, #tpu.memory_space<semaphore_mem>>) src(%dma_wait3A_513 : memref<32x128xf32, #tpu.memory_space<hbm>>) dst(%arg21 : memref<32x128xf32, #tpu.memory_space<vmem>>)
      %slice3A_514 = vector.extract_strided_slice %get3A_185 {offsets = [14], sizes = [1], strides = [1]} : vector<16xi32> to vector<1xi32>
      %squeeze3A_515 = vector.extract %slice3A_514[0] : i32 from vector<1xi32>
      %mul3A_516 = arith.constant 16 : i32
      %mul3A_517 = arith.muli %scan3A_181, %mul3A_516 : i32
      %add3A_518 = arith.constant 14 : i32
      %add3A_519 = arith.addi %mul3A_517, %add3A_518 : i32
      %and3A_520 = arith.constant 127 : i32
      %and3A_521 = arith.andi %squeeze3A_515, %and3A_520 : i32
      %broadcast_in_dim3A_522 = vector.broadcast %and3A_521 : i32 to vector<16xi32>
      %broadcast_in_dim3A_523 = vector.broadcast %add3A_519 : i32 to vector<16xi32>
      %gather3A_524 = tpu.vector_load_idx %arg21[%iota3A, %broadcast_in_dim3A_522] : memref<32x128xf32, #tpu.memory_space<vmem>>[vector<16xi32>, vector<16xi32>], vector<16xf32>,
      %gather3A_525 = tpu.vector_load_idx %arg21[%add3A_5, %broadcast_in_dim3A_522] : memref<32x128xf32, #tpu.memory_space<vmem>>[vector<16xi32>, vector<16xi32>], vector<16xf32>,
      tpu.vector_store_idx %arg6[%iota3A, %broadcast_in_dim3A_523], %gather3A_524 : memref<32x512xf32, #tpu.memory_space<vmem>>[vector<16xi32>, vector<16xi32>], vector<16xf32>,
      tpu.vector_store_idx %arg6[%add3A_5, %broadcast_in_dim3A_523], %gather3A_525 : memref<32x512xf32, #tpu.memory_space<vmem>>[vector<16xi32>, vector<16xi32>], vector<16xf32>,
      %lt3A_526 = arith.constant 31 : i32
      %lt3A_527 = arith.cmpi slt, %scan3A_181, %lt3A_526 : i32
      %convert_element_type3A_528 = arith.extui %lt3A_527 : i1 to i32
      %cond3A_529 = arith.constant 0 : i32
      %cond3A_530 = arith.cmpi ne, %convert_element_type3A_528, %cond3A_529 : i32
      scf.if %cond3A_530 {
        %slice3A_554 = vector.extract_strided_slice %get3A_192 {offsets = [14], sizes = [1], strides = [1]} : vector<16xi32> to vector<1xi32>
        %squeeze3A_555 = vector.extract %slice3A_554[0] : i32 from vector<1xi32>
        %shift_right_arithmetic3A_556 = arith.constant 7 : i32
        %shift_right_arithmetic3A_557 = arith.shrsi %squeeze3A_555, %shift_right_arithmetic3A_556 : i32
        %shift_left3A_558 = arith.constant 7 : i32
        %shift_left3A_559 = arith.shli %shift_right_arithmetic3A_557, %shift_left3A_558 : i32
        %multiple_of3A_560 = tpu.assume_multiple %shift_left3A_559, 128 : i32
        %dma_start3A_561 = arith.constant 0 : i32
        %dma_start3A_562 = tpu.memref_slice %arg3[%dma_start3A_561, %multiple_of3A_560] : memref<32x1000000xf32, #tpu.memory_space<hbm>> -> memref<32x128xf32, #tpu.memory_space<hbm>>
        %dma_start3A_563 = arith.constant 0 : i32
        %dma_start3A_564 = tpu.memref_slice %arg3[%dma_start3A_563, %multiple_of3A_560] : memref<32x1000000xf32, #tpu.memory_space<hbm>> -> memref<32x128xf32, #tpu.memory_space<hbm>>
        tpu.enqueue_dma source(%dma_start3A_564 : memref<32x128xf32, #tpu.memory_space<hbm>>) target(%arg21 : memref<32x128xf32, #tpu.memory_space<vmem>>) target_semaphore(%arg37 : memref<!tpu.dma_semaphore, #tpu.memory_space<semaphore_mem>>)
      } else {
      }
      %dma_wait3A_531 = arith.constant 0 : i32
      %dma_wait3A_532 = arith.constant 0 : i32
      %dma_wait3A_533 = tpu.memref_slice %arg3[%dma_wait3A_531, %dma_wait3A_532] : memref<32x1000000xf32, #tpu.memory_space<hbm>> -> memref<32x128xf32, #tpu.memory_space<hbm>>
      %dma_wait3A_534 = arith.constant 0 : i32
      %dma_wait3A_535 = arith.constant 0 : i32
      %dma_wait3A_536 = tpu.memref_slice %arg3[%dma_wait3A_534, %dma_wait3A_535] : memref<32x1000000xf32, #tpu.memory_space<hbm>> -> memref<32x128xf32, #tpu.memory_space<hbm>>
      tpu.wait_dma2 semaphore(%arg38 : memref<!tpu.dma_semaphore, #tpu.memory_space<semaphore_mem>>) src(%dma_wait3A_536 : memref<32x128xf32, #tpu.memory_space<hbm>>) dst(%arg22 : memref<32x128xf32, #tpu.memory_space<vmem>>)
      %slice3A_537 = vector.extract_strided_slice %get3A_185 {offsets = [15], sizes = [1], strides = [1]} : vector<16xi32> to vector<1xi32>
      %squeeze3A_538 = vector.extract %slice3A_537[0] : i32 from vector<1xi32>
      %mul3A_539 = arith.constant 16 : i32
      %mul3A_540 = arith.muli %scan3A_181, %mul3A_539 : i32
      %add3A_541 = arith.constant 15 : i32
      %add3A_542 = arith.addi %mul3A_540, %add3A_541 : i32
      %and3A_543 = arith.constant 127 : i32
      %and3A_544 = arith.andi %squeeze3A_538, %and3A_543 : i32
      %broadcast_in_dim3A_545 = vector.broadcast %and3A_544 : i32 to vector<16xi32>
      %broadcast_in_dim3A_546 = vector.broadcast %add3A_542 : i32 to vector<16xi32>
      %gather3A_547 = tpu.vector_load_idx %arg22[%iota3A, %broadcast_in_dim3A_545] : memref<32x128xf32, #tpu.memory_space<vmem>>[vector<16xi32>, vector<16xi32>], vector<16xf32>,
      %gather3A_548 = tpu.vector_load_idx %arg22[%add3A_5, %broadcast_in_dim3A_545] : memref<32x128xf32, #tpu.memory_space<vmem>>[vector<16xi32>, vector<16xi32>], vector<16xf32>,
      tpu.vector_store_idx %arg6[%iota3A, %broadcast_in_dim3A_546], %gather3A_547 : memref<32x512xf32, #tpu.memory_space<vmem>>[vector<16xi32>, vector<16xi32>], vector<16xf32>,
      tpu.vector_store_idx %arg6[%add3A_5, %broadcast_in_dim3A_546], %gather3A_548 : memref<32x512xf32, #tpu.memory_space<vmem>>[vector<16xi32>, vector<16xi32>], vector<16xf32>,
      %lt3A_549 = arith.constant 31 : i32
      %lt3A_550 = arith.cmpi slt, %scan3A_181, %lt3A_549 : i32
      %convert_element_type3A_551 = arith.extui %lt3A_550 : i1 to i32
      %cond3A_552 = arith.constant 0 : i32
      %cond3A_553 = arith.cmpi ne, %convert_element_type3A_551, %cond3A_552 : i32
      scf.if %cond3A_553 {
        %slice3A_554 = vector.extract_strided_slice %get3A_192 {offsets = [15], sizes = [1], strides = [1]} : vector<16xi32> to vector<1xi32>
        %squeeze3A_555 = vector.extract %slice3A_554[0] : i32 from vector<1xi32>
        %shift_right_arithmetic3A_556 = arith.constant 7 : i32
        %shift_right_arithmetic3A_557 = arith.shrsi %squeeze3A_555, %shift_right_arithmetic3A_556 : i32
        %shift_left3A_558 = arith.constant 7 : i32
        %shift_left3A_559 = arith.shli %shift_right_arithmetic3A_557, %shift_left3A_558 : i32
        %multiple_of3A_560 = tpu.assume_multiple %shift_left3A_559, 128 : i32
        %dma_start3A_561 = arith.constant 0 : i32
        %dma_start3A_562 = tpu.memref_slice %arg3[%dma_start3A_561, %multiple_of3A_560] : memref<32x1000000xf32, #tpu.memory_space<hbm>> -> memref<32x128xf32, #tpu.memory_space<hbm>>
        %dma_start3A_563 = arith.constant 0 : i32
        %dma_start3A_564 = tpu.memref_slice %arg3[%dma_start3A_563, %multiple_of3A_560] : memref<32x1000000xf32, #tpu.memory_space<hbm>> -> memref<32x128xf32, #tpu.memory_space<hbm>>
        tpu.enqueue_dma source(%dma_start3A_564 : memref<32x128xf32, #tpu.memory_space<hbm>>) target(%arg22 : memref<32x128xf32, #tpu.memory_space<vmem>>) target_semaphore(%arg38 : memref<!tpu.dma_semaphore, #tpu.memory_space<semaphore_mem>>)
      } else {
      }
    }
    %scan3A_180 = arith.constant 32 : i32
    "tpu.region"() ({
      %run_scoped3A = tpu.sem_alloc : memref<!tpu.dma_semaphore, #tpu.memory_space<semaphore_mem>>
      %dma_start3A_181 = arith.constant 0 : i32
      %dma_start3A_182 = tpu.memref_slice %arg4[%dma_start3A_181, %mul3A_2] : memref<32x16384xf32, #tpu.memory_space<hbm>> -> memref<32x512xf32, #tpu.memory_space<hbm>>
      %dma_start3A_183 = arith.constant 0 : i32
      %dma_start3A_184 = tpu.memref_slice %arg4[%dma_start3A_183, %mul3A_2] : memref<32x16384xf32, #tpu.memory_space<hbm>> -> memref<32x512xf32, #tpu.memory_space<hbm>>
      tpu.enqueue_dma source(%arg6 : memref<32x512xf32, #tpu.memory_space<vmem>>) target(%dma_start3A_184 : memref<32x512xf32, #tpu.memory_space<hbm>>) target_semaphore(%run_scoped3A : memref<!tpu.dma_semaphore, #tpu.memory_space<semaphore_mem>>)
      %dma_wait3A = arith.constant 0 : i32
      %dma_wait3A_185 = tpu.memref_slice %arg4[%dma_wait3A, %mul3A_2] : memref<32x16384xf32, #tpu.memory_space<hbm>> -> memref<32x512xf32, #tpu.memory_space<hbm>>
      %dma_wait3A_186 = arith.constant 0 : i32
      %dma_wait3A_187 = tpu.memref_slice %arg4[%dma_wait3A_186, %mul3A_2] : memref<32x16384xf32, #tpu.memory_space<hbm>> -> memref<32x512xf32, #tpu.memory_space<hbm>>
      tpu.wait_dma2 semaphore(%run_scoped3A : memref<!tpu.dma_semaphore, #tpu.memory_space<semaphore_mem>>) src(%arg6 : memref<32x512xf32, #tpu.memory_space<vmem>>) dst(%dma_wait3A_187 : memref<32x512xf32, #tpu.memory_space<hbm>>)
      tpu.yield
    }) : () -> ()
    return
  }
}

</mosaic_0001>

<sc_bundles>
// kernel: kernel.3.cloned.1.call-start
scs
__scs_entry_jumppad:
0x0: {  	(pc) =	sbr.rel $0x88, $3  }
0x1: {  	(tag) =	ssettag $0x0;
	lr =	simm.s32 $0x1  }
0x2: {  	[smem:$0x3F9F] =	sst lr;
	_ =	strace $0xD0000000  }
0x3: {  	_ = 	snop  }
0x4: {  	_ = 	snop  }
0x5: {  	_ = 	snop  }
0x6: {  	_ = 	snop  }
0x7: {  	_ = 	snop  }
__scs_overlays_trampoline_lowered:
0x8: {  	[smem:$0x3FAE] =	sst s0  }
0x9: {  	[smem:$0x3FAF] =	sst s1  }
0xa: {  	[smem:$0x3FB0] =	sst s2  }
0xb: {  	[smem:$0x3FB1] =	sst s3  }
0xc: {  	[smem:$0x3FB2] =	sst s4  }
0xd: {  	[smem:$0x3FB3] =	sst s5  }
0xe: {  	[smem:$0x3FB4] =	sst s6  }
0xf: {  	[smem:$0x3FB5] =	sst s7  }
0x10: {  	[smem:$0x3FB6] =	sst s8  }
0x11: {  	[smem:$0x3FB7] =	sst s9;
	s0 =	simm.s32 @!p0 $0x0  }
0x12: {  	s1 =	sld [smem:$0x3F9D];
	s0 =	simm.s32 @p0 $0x1  }
0x13: {  	[smem:$0x3FB8] =	sst s0;
	s0 =	simm.s32 @!p1 $0x0  }
0x14: {  	s2 =	sld [smem:$0x3F9C];
	s0 =	simm.s32 @p1 $0x1  }
0x15: {  	[smem:$0x3FB9] =	sst s0;
	s0 =	simm.s32 @!p2 $0x0  }
0x16: {  	s3 =	sld [smem:$0x3FDB];
	s0 =	simm.s32 @p2 $0x1  }
0x17: {  	s4 =	simm.s32 $0x1BF5;
	[smem:$0x3FBB] =	sst s0  }
0x18: {  	s0 =	sld [smem:$0x3F9E];
	_ =	swait.ge [sflag:s4], $0x0  }
0x19: {  	s7 =	sld [smem:$0x3F9F]  }
0x1a: {  	s8 =	sadd.s32 $0xFFFFE003, lr  }
0x1b: {  	s9 =	sadd.s32 $0xFFFFFEF7, lr;
	s5 =	simm.s32 $0xFFFFFFFF;
	p2 =	slt.u32 s8, $0xFFFFF086  }
0x1c: {  	p1 =	slt.u32 s9, $0xF7A;
	s5 =	simm.s32 @!p2 $0x0  }
0x1d: {  	s5 =	simm.s32 @p1 $0x1;
	p0 =	seq.s32 s7, s2  }
0x1e: {  	s7 =	smul.u32 @!p0 $0xF7A, s2;
	p2 =	seq.s32 @!p0 s5, $0x0  }
0x1f: {  	s9 =	smul.u32 $0xF7A, s1;
	s8 =	simm.s32 @!p0 $0x1BF5;
	p2 =	por !p2, p0  }
0x20: {  	[sflag:s8] =	ssyncset.s32 @!p0 $0xFFFFF086;
	s6 =	sadd.s32 @!p0 s3, s7;
	s7 =	simm.s32 @!p0 $0x108  }
0x21: {  	s3 =	sadd.s32 s3, s9;
	s6 =	sadd.s32 @!p0 $0x88, s6;
	s7 =	simm.s32 @p2 $0x1082  }
0x22: {  	[simem:s7], [sflag:s8] =	dma.local @!p0 [hbm:s6], $0xF7A  }
0x23: {  	s9 =	sor.u32 $0xD0000000, s2;
	s6 =	simm.s32 $0x108;
	_ =	swait.ge @!p0 [sflag:s8], $0x0  }
0x24: {  	s3 =	sadd.s32 $0x88, s3;
	s6 =	simm.s32 @!p1 $0x1082;
	[sflag:s4] =	ssyncset.s32 $0xFFFFF086  }
0x25: {  	[simem:s6], [sflag:s4] =	dma.local [hbm:s3], $0xF7A  }
0x26: {  	[smem:$0x3F9F] =	sst s1;
	(tag) =	ssettag s2;
	_ =	strace s9  }
0x27: {  	s1 =	sld [smem:$0x3FAF]  }
0x28: {  	s2 =	sld [smem:$0x3FB0]  }
0x29: {  	s4 =	sld [smem:$0x3FB2]  }
0x2a: {  	p0 =	seq.s32 s5, $0x0;
	s5 =	sld [smem:$0x3FB3]  }
0x2b: {  	s6 =	sld [smem:$0x3FB4]  }
0x2c: {  	s7 =	sld [smem:$0x3FB5]  }
0x2d: {  	s3 =	simm.s32 $0x108;
	s8 =	sld [smem:$0x3FB6]  }
0x2e: {  	s3 =	simm.s32 @!p0 $0x1082;
	s9 =	sld [smem:$0x3FB7]  }
0x2f: {  	lr =	sadd.s32 s0, s3;
	s0 =	sld [smem:$0x3FAE]  }
0x30: {  	s3 =	sld [smem:$0x3FB1]  }
0x31: {  	[smem:$0x3FBA] =	sst s10  }
0x32: {  	s10 =	sld [smem:$0x3FB8];
	_ =	sdelay $0x3  }
0x33: {  	p0 =	seq.s32 s10, $0x1;
	s10 =	sld [smem:$0x3FBA];
	_ =	sdelay $0x3  }
0x34: {  	[smem:$0x3FBA] =	sst s10  }
0x35: {  	s10 =	sld [smem:$0x3FB9];
	_ =	sdelay $0x3  }
0x36: {  	p1 =	seq.s32 s10, $0x1;
	s10 =	sld [smem:$0x3FBA];
	_ =	sdelay $0x3  }
0x37: {  	[smem:$0x3FBA] =	sst s10  }
0x38: {  	s10 =	sld [smem:$0x3FBB]  }
0x39: {  	_ = 	snop;
	(pc) =	sbr.ind lr, $3  }
0x3a: {  	_ = 	snop  }
0x3b: {  	_ = 	snop  }
0x3c: {  	p2 =	seq.s32 s10, $0x1;
	s10 =	sld [smem:$0x3FBA]  }
0x3d: {  	_ =	shalt  }
0x3e: {  	_ =	shalt  }
0x3f: {  	_ =	shalt  }
0x40: {  	_ =	shalt  }
0x41: {  	_ =	shalt  }
0x42: {  	_ =	shalt  }
0x43: {  	_ =	shalt  }
0x44: {  	_ =	shalt  }
0x45: {  	_ =	shalt  }
0x46: {  	_ =	shalt  }
0x47: {  	_ =	shalt  }
0x48: {  	_ =	shalt  }
0x49: {  	_ =	shalt  }
0x4a: {  	_ =	shalt  }
0x4b: {  	_ =	shalt  }
0x4c: {  	_ =	shalt  }
0x4d: {  	_ =	shalt  }
0x4e: {  	_ =	shalt  }
0x4f: {  	_ =	shalt  }
0x50: {  	_ =	shalt  }
0x51: {  	_ =	shalt  }
0x52: {  	_ =	shalt  }
0x53: {  	_ =	shalt  }
0x54: {  	_ =	shalt  }
0x55: {  	_ =	shalt  }
0x56: {  	_ =	shalt  }
0x57: {  	_ =	shalt  }
0x58: {  	_ =	shalt  }
0x59: {  	_ =	shalt  }
0x5a: {  	_ =	shalt  }
0x5b: {  	_ =	shalt  }
0x5c: {  	_ =	shalt  }
0x5d: {  	_ =	shalt  }
0x5e: {  	_ =	shalt  }
0x5f: {  	_ =	shalt  }
0x60: {  	_ =	shalt  }
0x61: {  	_ =	shalt  }
0x62: {  	_ =	shalt  }
0x63: {  	_ =	shalt  }
0x64: {  	_ =	shalt  }
0x65: {  	_ =	shalt  }
0x66: {  	_ =	shalt  }
0x67: {  	_ =	shalt  }
0x68: {  	_ =	shalt  }
0x69: {  	_ =	shalt  }
0x6a: {  	_ =	shalt  }
0x6b: {  	_ =	shalt  }
0x6c: {  	_ =	shalt  }
0x6d: {  	_ =	shalt  }
0x6e: {  	_ =	shalt  }
0x6f: {  	_ =	shalt  }
0x70: {  	_ =	shalt  }
0x71: {  	_ =	shalt  }
0x72: {  	_ =	shalt  }
0x73: {  	_ =	shalt  }
0x74: {  	_ =	shalt  }
0x75: {  	_ =	shalt  }
0x76: {  	_ =	shalt  }
0x77: {  	_ =	shalt  }
0x78: {  	_ =	shalt  }
0x79: {  	_ =	shalt  }
0x7a: {  	_ =	shalt  }
0x7b: {  	_ =	shalt  }
0x7c: {  	_ =	shalt  }
0x7d: {  	_ =	shalt  }
0x7e: {  	_ =	shalt  }
0x7f: {  	_ =	shalt  }
0x80: {  	_ =	shalt  }
0x81: {  	_ =	shalt  }
0x82: {  	_ =	shalt  }
0x83: {  	_ =	shalt  }
0x84: {  	_ =	shalt  }
0x85: {  	_ =	shalt  }
0x86: {  	_ =	shalt  }
0x87: {  	_ =	shalt  }
.Lfunc_end0:
.L_simem_size_0:
called_computation_lowered:
.L_overlay_start_0:
0x88: {  	s2 =	sld [smem:$0x3FD9]  }
0x89: {  	s3 =	sld [smem:$0x3FFE];
	_ =	sdelay $0x1  }
0x8a: {  	s1 =	srdreg.scid  }
0x8b: {  	s0 =	sand.u32 $0x1, s1  }
0x8c: {  	s18 =	sshll.u32 s0, $0xA;
	s2 =	sadd.s32 s3, s2  }
0x8d: {  	s2 =	sadd.s32 s2, s18  }
0x8e: {  	[smem:$0x3FC6] =	sst s2  }
0x8f: {  	_ = 	snop  }
0x90: {  	s2 =	sld [smem:$0x3FC9]  }
0x91: {  	s19 =	sld [smem:$0x3FC8]  }
0x92: {  	s4 =	sld [smem:$0x3FD0];
	(tm) =	ssettm $0x1  }
0x93: {  	s5 =	sld [smem:$0x3FFB];
	_ =	sdelay $0x3  }
0x94: {  	_ =	strace s5  }
0x95: {  	s5 =	sld [smem:$0x3FFC];
	_ =	sdelay $0x3  }
0x96: {  	_ =	strace s5  }
0x97: {  	s5 =	sld [smem:$0x3FFD];
	_ =	sdelay $0x3  }
0x98: {  	_ =	strace s5  }
0x99: {  	_ =	strace $0x8FFFFFFF  }
0x9a: {  	s20 =	sld [smem:$0x3FDB];
	_ =	sdelay $0x1  }
0x9b: {  	s6 =	simm.s32 $_scs_section_size  }
0x9c: {  	s7 =	simm.s32 $_size__tile_overlayer_lowered;
	s8 =	simm.s32 $_tile_overlayer_lowered  }
0x9d: {  	s23 =	simm.s32 $0x1BFF;
	s22 =	sshll.u32 s8, $0x1;
	s5 =	sadd.s32 s6, s20  }
0x9e: {  	s9 =	simm.s32 $0x0;
	s21 =	sshll.u32 s7, $0x1;
	s7 =	sadd.s32 s22, s5  }
0x9f: {  	[timem:s9], [sflag:s23] =	dma.local [hbm:s7], s21  }
0xa0: {  	_ =	swait.ge [sflag:s23], s21  }
0xa1: {  	s6 =	ssub.s32 $0x0, s21;
	[sflag:s23] =	ssyncset.done $0x0  }
0xa2: {  	[sflag:s23] =	ssyncadd.s32 s6;
	_ =	sdelay $0x1  }
0xa3: {  	s24 =	simm.s32 $0x1B8B  }
0xa4: {  	_ =	swait.ge [sflag:s24], $0x1  }
0xa5: {  	[sflag:s24] =	ssyncset.done $0x0  }
0xa6: {  	s25 =	simm.s32 $0x1B8E;
	[sflag:s24] =	ssyncadd.s32 $0xFFFFFFFF  }
0xa7: {  	s26 =	simm.s32 $execute0_lowered;
	[smem:$0x3FD2] =	sst s25  }
0xa8: {  	s6 =	sshll.u32 s26, $0x1;
	_ =	strace $0x80000046;
	[dreg:$0x1] =	wrdreg $0xFFFFFFFF  }
0xa9: {  	s28 =	simm.s32 $_size_execute0_lowered;
	s5 =	sadd.s32 s5, s6;
	[dreg:$0x0] =	wrdreg $0x0  }
0xaa: {  	s6 =	sshll.u32 s28, $0x1;
	[dreg:$0x2] =	wrdreg s5  }
0xab: {  	[dreg:$0x3] =	wrdreg s6  }
0xac: {  	[dreg:$0x4] =	wrdreg $0xC0  }
0xad: {  	_ =	task [dreg:s9], $0x5FFFF  }
0xae: {  	[dreg:$0x1] =	wrdreg $0xFFFFFFFF  }
0xaf: {  	[dreg:$0x0] =	wrdreg $0x60  }
0xb0: {  	[dreg:$0x2] =	wrdreg s2  }
0xb1: {  	[dreg:$0x3] =	wrdreg s19  }
0xb2: {  	[dreg:$0x4] =	wrdreg s4  }
0xb3: {  	[dreg:$0x5] =	wrdreg $0x9  }
0xb4: {  	_ =	task.clear_ibuf [dreg:s9], $0x6FFFF;
	_ =	strace $0x90000046  }
0xb5: {  	s29 =	simm.s32 $0x9;
	_ =	strace $0x80000048  }
0xb6: {  	_ =	swait.ge [sflag:s29], $0x1  }
0xb7: {  	[sflag:s29] =	ssyncadd.s32 $0xFFFFFFFF  }
0xb8: {  	_ =	strace $0x90000048  }
0xb9: {  	_ =	sfence  }
0xba: {  	s30 =	sld [smem:$0x0];
	_ =	sdelay $0x2  }
0xbb: {  	s31 =	sshll.u32 s1, $0xD;
	s1 =	sshrl.u32 s1, $0x2  }
0xbc: {  	s3 =	sand.u32 $0x4000, s31;
	s1 =	sadd.s32 s1, s30  }
0xbd: {  	s0 =	sor.u32 s3, s0;
	s1 =	sshll.u32 s1, $0x11  }
0xbe: {  	s0 =	sor.u32 s1, s0  }
0xbf: {  	s0 =	sadd.s32 $0x8F2B, s0  }
0xc0: {  	[sflag:s0] =	ssyncadd.remote.s32 $0x1  }
0xc1: {  	_ =	sfence.sel $0xFFFF  }
0xc2: {  	[dreg:$0x0] =	wrdreg $0xFFFFFFFF;
	(pc) =	sbr.abs _section_cstart, $3  }
0xc3: {  	[dreg:$0x1] =	wrdreg $0xFFFFFFFF  }
0xc4: {  	_ =	task.clear_ibuf [dreg:s9], $0x2FFFF;
	_ =	strace $0x9FFFFFFF  }
0xc5: {  	(tm) =	ssettm $0x7FFFFFFF  }
tec
execute0_lowered:
.L_overlay_start_1:
0x0: {  	(tag) =	ssettag $0x1  }
0x1: {  	s0 =	rddreg [dreg:$0x0]  }
0x2: {  	s1 =	rddreg [dreg:$0x1];
	v0 =	vlaneseq.u32;
	v1 =	vimm.s32 $0x1380  }
0x3: {  	s2 =	rddreg [dreg:$0x2];
	s3 =	srdreg.scid;
	s6 =	simm.s32 $0x0;
	vm0 =	vcmask $0x300;
	v2 =	vimm.s32 $0x3380;
	vm1 =	vcmask $0x704  }
0x4: {  	s5 =	stileid.u32;
	s15 =	simm.s32 $0x11;
	vm15 =	vcmask $0xB08;
	s17 =	simm.s32 $0x4200;
	v1 =	vsel vm0, $0x0, v1;
	v2 =	vsel vm0, $0x2000, v2  }
0x5: {  	vm4 =	vcmask $0xF0C;
	s18 =	simm.s32 $0x5200;
	s19 =	simm.s32 $0x6200;
	s20 =	simm.s32 $0x7200;
	v1 =	vsel vm1, $0x80, v1;
	v2 =	vsel vm1, $0x2080, v2  }
0x6: {  	vm5 =	vcmask $0x1310;
	s21 =	simm.s32 $0x8200;
	s22 =	simm.s32 $0x9200;
	s23 =	simm.s32 $0xA200;
	v1 =	vsel vm15, $0x100, v1;
	v2 =	vsel vm15, $0x2100, v2  }
0x7: {  	vm6 =	vcmask $0x1714;
	s28 =	simm.s32 $0x200;
	s29 =	simm.s32 $0x2;
	s30 =	simm.s32 $0x3;
	v1 =	vsel vm4, $0x180, v1;
	v2 =	vsel vm4, $0x2180, v2  }
0x8: {  	vm7 =	vcmask $0x1B18;
	s31 =	simm.s32 $0x4;
	s7 =	simm.s32 $0xA;
	s8 =	simm.s32 $0xC;
	v1 =	vsel vm5, $0x200, v1;
	v2 =	vsel vm5, $0x2200, v2  }
0x9: {  	vm8 =	vcmask $0x1F1C;
	s9 =	simm.s32 $0xD;
	s10 =	simm.s32 $0xE;
	s11 =	simm.s32 $0xF;
	v1 =	vsel vm6, $0x280, v1;
	v2 =	vsel vm6, $0x2280, v2  }
0xa: {  	vm9 =	vcmask $0x2320;
	s12 =	simm.s32 $0x10;
	s14 =	simm.s32 $0x0;
	s3 =	sand.u32 $0x1, s3;
	v1 =	vsel vm7, $0x300, v1;
	v2 =	vsel vm7, $0x2300, v2  }
0xb: {  	vm10 =	vcmask $0x2724;
	s5 =	sshll.u32 s5, $0xA;
	[smem:$0x7FF] =	sst s6;
	s4 =	ssub.s32 $0x2, s3;
	v1 =	vsel vm8, $0x380, v1;
	v2 =	vsel vm8, $0x2380, v2  }
0xc: {  	vm11 =	vcmask $0x2B28;
	s6 =	simm.s32 $0xB;
	s3 =	sshll.u32 s3, $0x9;
	s24 =	sshrl.u32 s4, $0x1;
	v1 =	vsel vm9, $0x1000, v1;
	v2 =	vsel vm9, $0x3000, v2  }
0xd: {  	vm12 =	vcmask $0x2F2C;
	_ =	strace $0x80000047;
	s3 =	sor.u32 s3, s5;
	s4 =	ssub.s32 s4, s24;
	v1 =	vsel vm10, $0x1080, v1;
	v2 =	vsel vm10, $0x3080, v2  }
0xe: {  	vm13 =	vcmask $0x3330;
	s5 =	sshrl.u32 s3, $0x3;
	s25 =	sadd.s32 s2, s3;
	s24 =	simm.s32 $0xB200;
	v1 =	vsel vm11, $0x1100, v1;
	v2 =	vsel vm11, $0x3100, v2  }
0xf: {  	vm14 =	vcmask $0x3734;
	s2 =	simm.s32 $0x6;
	s3 =	simm.s32 $0x7;
	s0 =	sadd.s32 s0, s5;
	v1 =	vsel vm12, $0x1180, v1;
	v2 =	vsel vm12, $0x3180, v2  }
0x10: {  	v0 =	vmul.u32 $0x80, v0;
	[dreg:$0x5] =	wrdreg s25;
	s26 =	smax.u32 s4, $0x1;
	s25 =	simm.s32 $0xC200;
	v1 =	vsel vm13, $0x1200, v1;
	v2 =	vsel vm13, $0x3200, v2  }
0x11: {  	vm15 =	vcmask $0x3B38;
	s4 =	simm.s32 $0x8;
	s5 =	simm.s32 $0x9;
	[dreg:$0x4] =	wrdreg s0;
	v3 =	vsel vm14, $0x1280, v1;
	v4 =	vsel vm14, $0x3280, v2  }
0x12: {  	[dreg:$0x6] =	wrdreg s26;
	s26 =	simm.s32 $0x1;
	s0 =	simm.s32 $0x5;
	v1 =	vor.u32 $0x800, v0;
	v2 =	vsel vm15, $0x1300, v3;
	v3 =	vsel vm15, $0x3300, v4  }
.LBB2_1:
0x13: {  	[dreg:$0x7] =	wrdreg s14  }
0x14: {  	s13 =	simm.s32 $0x0;
	s16 =	rddreg [dreg:$0x4]  }
0x15: {  	[tilespmem:s13], [sflag:$0x11] =	stream.linear.gather [hbm4b:s16+s13], $0x200, $0x38;
	[tilespmem:$0x14200] =	vst v63  }
0x16: {  	_ =	swait.ge [sflag:s15], $0x200  }
0x17: {  	[sflag:s15] =	ssyncset.done $0x0  }
0x18: {  	[sflag:s15] =	ssyncadd.s32 $0xFFFFFE00  }
0x19: {  	v4 =	vld [tilespmem:$0x0];
	_ =	sdelay $0x4  }
0x1a: {  	(v2sf) =	vpush v4, $0x0;
	_ =	sdelay $0x1  }
0x1b: {  	(v2sf) =	vpush v4, $0x1;
	_ =	sdelay $0x4  }
0x1c: {  	(v2sf) =	vpush v4, $0x2;
	_ =	sdelay $0x3  }
0x1d: {  	(v2sf) =	vpush v4, $0x3;
	_ =	sdelay $0x3  }
0x1e: {  	s16 =	spop (v2sf);
	(v2sf) =	vpush v4, $0x4  }
0x1f: {  	s15 =	simm.s32 $0x400;
	s13 =	sand.u32 $0xFFFFF80, s16  }
0x20: {  	s16 =	simm.s32 $0x7A1400;
	s14 =	spop (v2sf);
	s13 =	sadd.s32 s1, s13  }
0x21: {  	[tilespmem:s17], [sflag:$0x1] =	stream.strided.gather [hbm4b:s13+s15], $0x1000, s16, s15, $0x38;
	[tilespmem:$0x14200] =	vst v63  }
0x22: {  	(v2sf) =	vpush v4, $0x5;
	s13 =	sand.u32 $0xFFFFF80, s14  }
0x23: {  	s13 =	sadd.s32 s1, s13  }
0x24: {  	[tilespmem:s18], [sflag:$0x2] =	stream.strided.gather [hbm4b:s13+s15], $0x1000, s16, s15, $0x38;
	[tilespmem:$0x14200] =	vst v63  }
0x25: {  	s18 =	spop (v2sf)  }
0x26: {  	(v2sf) =	vpush v4, $0x6;
	s13 =	sand.u32 $0xFFFFF80, s18  }
0x27: {  	s13 =	sadd.s32 s1, s13  }
0x28: {  	[tilespmem:s19], [sflag:$0x3] =	stream.strided.gather [hbm4b:s13+s15], $0x1000, s16, s15, $0x38;
	[tilespmem:$0x14200] =	vst v63  }
0x29: {  	s19 =	spop (v2sf)  }
0x2a: {  	(v2sf) =	vpush v4, $0x7;
	s13 =	sand.u32 $0xFFFFF80, s19  }
0x2b: {  	s13 =	sadd.s32 s1, s13  }
0x2c: {  	[tilespmem:s20], [sflag:$0x4] =	stream.strided.gather [hbm4b:s13+s15], $0x1000, s16, s15, $0x38;
	[tilespmem:$0x14200] =	vst v63  }
0x2d: {  	s20 =	spop (v2sf)  }
0x2e: {  	s13 =	sand.u32 $0xFFFFF80, s20  }
0x2f: {  	(v2sf) =	vpush v4, $0x8;
	s13 =	sadd.s32 s1, s13  }
0x30: {  	[tilespmem:s21], [sflag:$0x5] =	stream.strided.gather [hbm4b:s13+s15], $0x1000, s16, s15, $0x38;
	[tilespmem:$0x14200] =	vst v63  }
0x31: {  	s21 =	spop (v2sf);
	(v2sf) =	vpush v4, $0x9  }
0x32: {  	s13 =	sand.u32 $0xFFFFF80, s21  }
0x33: {  	s13 =	sadd.s32 s1, s13  }
0x34: {  	(v2sf) =	vpush v4, $0xA;
	[tilespmem:s22], [sflag:$0x6] =	stream.strided.gather [hbm4b:s13+s15], $0x1000, s16, s15, $0x38;
	[tilespmem:$0x14200] =	vst v63  }
0x35: {  	s22 =	spop (v2sf)  }
0x36: {  	(v2sf) =	vpush v4, $0xB;
	s13 =	sand.u32 $0xFFFFF80, s22  }
0x37: {  	s13 =	sadd.s32 s1, s13  }
0x38: {  	[tilespmem:s23], [sflag:$0x7] =	stream.strided.gather [hbm4b:s13+s15], $0x1000, s16, s15, $0x38;
	[tilespmem:$0x14200] =	vst v63  }
0x39: {  	s23 =	spop (v2sf);
	(v2sf) =	vpush v4, $0xC;
	_ =	sdelay $0x1  }
0x3a: {  	s13 =	sand.u32 $0xFFFFF80, s23  }
0x3b: {  	s13 =	sadd.s32 s1, s13  }
0x3c: {  	[tilespmem:s24], [sflag:$0x8] =	stream.strided.gather [hbm4b:s13+s15], $0x1000, s16, s15, $0x38;
	[tilespmem:$0x14200] =	vst v63  }
0x3d: {  	s14 =	spop (v2sf);
	(v2sf) =	vpush v4, $0xD  }
0x3e: {  	s13 =	sand.u32 $0xFFFFF80, s14  }
0x3f: {  	s13 =	sadd.s32 s1, s13;
	s18 =	spop (v2sf);
	(v2sf) =	vpush v4, $0xE  }
0x40: {  	[tilespmem:s25], [sflag:$0x9] =	stream.strided.gather [hbm4b:s13+s15], $0x1000, s16, s15, $0x38;
	[tilespmem:$0x14200] =	vst v63  }
0x41: {  	s13 =	sand.u32 $0xFFFFF80, s18  }
0x42: {  	s19 =	simm.s32 $0xD200;
	s20 =	spop (v2sf);
	(v2sf) =	vpush v4, $0xF;
	s13 =	sadd.s32 s1, s13  }
0x43: {  	[tilespmem:s19], [sflag:$0xA] =	stream.strided.gather [hbm4b:s13+s15], $0x1000, s16, s15, $0x38;
	[tilespmem:$0x14200] =	vst v63  }
0x44: {  	s13 =	sand.u32 $0xFFFFF80, s20;
	s21 =	spop (v2sf)  }
0x45: {  	s22 =	simm.s32 $0xE200;
	s13 =	sadd.s32 s1, s13;
	s23 =	sand.u32 $0xFFFFF80, s21  }
0x46: {  	[tilespmem:s22], [sflag:$0xB] =	stream.strided.gather [hbm4b:s13+s15], $0x1000, s16, s15, $0x38;
	[tilespmem:$0x14200] =	vst v63  }
0x47: {  	s25 =	simm.s32 $0xF200;
	s13 =	sadd.s32 s1, s23;
	s24 =	spop (v2sf)  }
0x48: {  	[tilespmem:s25], [sflag:$0xC] =	stream.strided.gather [hbm4b:s13+s15], $0x1000, s16, s15, $0x38;
	[tilespmem:$0x14200] =	vst v63  }
0x49: {  	s18 =	sand.u32 $0xFFFFF80, s24  }
0x4a: {  	s20 =	simm.s32 $0x10200;
	s13 =	sadd.s32 s1, s18  }
0x4b: {  	[tilespmem:s20], [sflag:$0xD] =	stream.strided.gather [hbm4b:s13+s15], $0x1000, s16, s15, $0x38;
	[tilespmem:$0x14200] =	vst v63  }
0x4c: {  	s19 =	spop (v2sf)  }
0x4d: {  	s21 =	sand.u32 $0xFFFFF80, s19  }
0x4e: {  	s23 =	simm.s32 $0x11200;
	s13 =	sadd.s32 s1, s21;
	s22 =	spop (v2sf)  }
0x4f: {  	[tilespmem:s23], [sflag:$0xE] =	stream.strided.gather [hbm4b:s13+s15], $0x1000, s16, s15, $0x38;
	[tilespmem:$0x14200] =	vst v63  }
0x50: {  	s14 =	simm.s32 $0xF;
	s24 =	sand.u32 $0xFFFFF80, s22  }
0x51: {  	s20 =	simm.s32 $0x12200;
	s25 =	spop (v2sf);
	s13 =	sadd.s32 s1, s24  }
0x52: {  	[tilespmem:s20], [sflag:$0xF] =	stream.strided.gather [hbm4b:s13+s15], $0x1000, s16, s15, $0x38;
	[tilespmem:$0x14200] =	vst v63  }
0x53: {  	s19 =	simm.s32 $0x5200;
	s21 =	simm.s32 $0x7200;
	s13 =	sand.u32 $0xFFFFF80, s25  }
0x54: {  	s23 =	simm.s32 $0x9200;
	s22 =	simm.s32 $0x13200;
	s13 =	sadd.s32 s1, s13  }
0x55: {  	[tilespmem:s22], [sflag:$0x10] =	stream.strided.gather [hbm4b:s13+s15], $0x1000, s16, s15, $0x38;
	[tilespmem:$0x14200] =	vst v63  }
0x56: {  	s24 =	simm.s32 $0xA200;
	s25 =	simm.s32 $0xB200;
	s13 =	simm.s32 $0x0  }
.LBB2_2:
0x57: {  	s15 =	sshra.s32 s13, $0x2  }
0x58: {  	v4 =	vld [tilespmem:s15+$0x0]  }
0x59: {  	s18 =	sadd.s32 $0x40, s13  }
0x5a: {  	s15 =	sand.u32 $0x7C0, s18  }
0x5b: {  	s15 =	sshrl.u32 s15, $0x2  }
0x5c: {  	v5 =	vld [tilespmem:s15+$0x0];
	_ =	swait.ge [sflag:s26], $0x1000  }
0x5d: {  	(v2sf) =	vpush v4, $0x0;
	_ =	sdelay $0x9  }
0x5e: {  	p0 =	seq.s32 s14, $0x1FF  }
0x5f: {  	(v2sf) =	vpush @!p0 v5, $0x0;
	_ =	sdelay $0x3  }
0x60: {  	s16 =	spop (v2sf)  }
0x61: {  	s15 =	sand.u32 $0x7F, s16  }
0x62: {  	s16 =	sadd.s32 $0xFFFFFFF1, s14;
	v6 =	vor.u32 s15, v0  }
0x63: {  	v7 =	vmov s16;
	v8 =	vor.u32 s15, v1  }
0x64: {  	v9 =	vshll.u32 v7, $0x3  }
0x65: {  	[sflag:s26] =	ssyncset.done $0x0;
	v7 =	vand.u32 $0x70, v7;
	v9 =	vand.u32 $0xC00, v9  }
0x66: {  	[sflag:s26] =	ssyncadd.s32 $0xFFFFF000;
	v7 =	vor.u32 v7, v9  }
0x67: {  	v9 =	vor.u32 v2, v7;
	v6 =	vld.idx.msk [tilespmem:v6+s17+$0x0], $0xffff  }
0x68: {  	v7 =	vor.u32 v3, v7;
	v8 =	vld.idx.msk [tilespmem:v8+s17+$0x0], $0xffff;
	_ =	sdelay $0x2  }
0x69: {  	s15 =	spop @!p0 (v2sf)  }
0x6a: {  	s18 =	simm.s32 @!p0 $0x4200;
	s15 =	sand.u32 @!p0 $0xFFFFF80, s15;
	[tilespmem:v9+s28+$0x0] =	vst.idx.msk $0xffff, v6  }
0x6b: {  	s16 =	simm.s32 @!p0 $0x7A1400;
	s17 =	sadd.s32 @!p0 s1, s15;
	s15 =	simm.s32 @!p0 $0x400;
	[tilespmem:v7+s28+$0x0] =	vst.idx.msk $0xffff, v8  }
0x6c: {  	[tilespmem:s18], [sflag:$0x1] =	stream.strided.gather @!p0 [hbm4b:s17+s15], $0x1000, s16, s15, $0x38;
	[tilespmem:$0x14200] =	vst v63  }
0x6d: {  	_ =	swait.ge [sflag:s29], $0x1000  }
0x6e: {  	(v2sf) =	vpush v4, $0x1;
	_ =	sdelay $0xa  }
0x6f: {  	(v2sf) =	vpush @!p0 v5, $0x1;
	_ =	sdelay $0x3  }
0x70: {  	s18 =	spop (v2sf)  }
0x71: {  	s17 =	sand.u32 $0x7F, s18  }
0x72: {  	s18 =	sadd.s32 $0xFFFFFFF2, s14;
	v58 =	vor.u32 s17, v0  }
0x73: {  	v59 =	vmov s18;
	v60 =	vor.u32 s17, v1  }
0x74: {  	v61 =	vshll.u32 v59, $0x3  }
0x75: {  	[sflag:s29] =	ssyncset.done $0x0;
	v7 =	vand.u32 $0x71, v59;
	v9 =	vand.u32 $0xC00, v61  }
0x76: {  	[sflag:s29] =	ssyncadd.s32 $0xFFFFF000;
	v7 =	vor.u32 v7, v9  }
0x77: {  	v9 =	vor.u32 v2, v7;
	v6 =	vld.idx.msk [tilespmem:v58+s19+$0x0], $0xffff  }
0x78: {  	v7 =	vor.u32 v3, v7;
	v8 =	vld.idx.msk [tilespmem:v60+s19+$0x0], $0xffff;
	_ =	sdelay $0x2  }
0x79: {  	s17 =	spop @!p0 (v2sf)  }
0x7a: {  	s17 =	sand.u32 @!p0 $0xFFFFF80, s17;
	[tilespmem:v9+s28+$0x0] =	vst.idx.msk $0xffff, v6  }
0x7b: {  	s18 =	simm.s32 @!p0 $0x5200;
	s17 =	sadd.s32 @!p0 s1, s17;
	[tilespmem:v7+s28+$0x0] =	vst.idx.msk $0xffff, v8  }
0x7c: {  	[tilespmem:s18], [sflag:$0x2] =	stream.strided.gather @!p0 [hbm4b:s17+s15], $0x1000, s16, s15, $0x38;
	[tilespmem:$0x14200] =	vst v63  }
0x7d: {  	_ =	swait.ge [sflag:s30], $0x1000  }
0x7e: {  	(v2sf) =	vpush v4, $0x2;
	_ =	sdelay $0xa  }
0x7f: {  	(v2sf) =	vpush @!p0 v5, $0x2;
	_ =	sdelay $0x3  }
0x80: {  	s18 =	spop (v2sf)  }
0x81: {  	s17 =	sand.u32 $0x7F, s18  }
0x82: {  	s18 =	sadd.s32 $0xFFFFFFF3, s14;
	v62 =	vor.u32 s17, v0  }
0x83: {  	v63 =	vmov s18;
	v12 =	vor.u32 s17, v1  }
0x84: {  	v13 =	vshll.u32 v63, $0x3  }
0x85: {  	[sflag:s30] =	ssyncset.done $0x0;
	v7 =	vand.u32 $0x72, v63;
	v9 =	vand.u32 $0xC00, v13  }
0x86: {  	[sflag:s30] =	ssyncadd.s32 $0xFFFFF000;
	s18 =	simm.s32 $0x6200;
	v7 =	vor.u32 v7, v9  }
0x87: {  	v9 =	vor.u32 v2, v7;
	v6 =	vld.idx.msk [tilespmem:v62+s18+$0x0], $0xffff  }
0x88: {  	v7 =	vor.u32 v3, v7;
	v8 =	vld.idx.msk [tilespmem:v12+s18+$0x0], $0xffff;
	_ =	sdelay $0x2  }
0x89: {  	s17 =	spop @!p0 (v2sf)  }
0x8a: {  	s17 =	sand.u32 @!p0 $0xFFFFF80, s17;
	[tilespmem:v9+s28+$0x0] =	vst.idx.msk $0xffff, v6  }
0x8b: {  	s17 =	sadd.s32 @!p0 s1, s17;
	s18 =	simm.s32 @!p0 $0x6200;
	[tilespmem:v7+s28+$0x0] =	vst.idx.msk $0xffff, v8  }
0x8c: {  	[tilespmem:s18], [sflag:$0x3] =	stream.strided.gather @!p0 [hbm4b:s17+s15], $0x1000, s16, s15, $0x38;
	[tilespmem:$0x14200] =	vst v63  }
0x8d: {  	_ =	swait.ge [sflag:s31], $0x1000  }
0x8e: {  	(v2sf) =	vpush v4, $0x3;
	_ =	sdelay $0xa  }
0x8f: {  	(v2sf) =	vpush @!p0 v5, $0x3;
	_ =	sdelay $0x3  }
0x90: {  	s18 =	spop (v2sf)  }
0x91: {  	s17 =	sand.u32 $0x7F, s18  }
0x92: {  	s18 =	sadd.s32 $0xFFFFFFF4, s14;
	v14 =	vor.u32 s17, v0  }
0x93: {  	v15 =	vmov s18;
	v16 =	vor.u32 s17, v1  }
0x94: {  	v17 =	vshll.u32 v15, $0x3  }
0x95: {  	[sflag:s31] =	ssyncset.done $0x0;
	v7 =	vand.u32 $0x73, v15;
	v9 =	vand.u32 $0xC00, v17  }
0x96: {  	[sflag:s31] =	ssyncadd.s32 $0xFFFFF000;
	v7 =	vor.u32 v7, v9  }
0x97: {  	v9 =	vor.u32 v2, v7;
	v6 =	vld.idx.msk [tilespmem:v14+s21+$0x0], $0xffff  }
0x98: {  	v7 =	vor.u32 v3, v7;
	v8 =	vld.idx.msk [tilespmem:v16+s21+$0x0], $0xffff;
	_ =	sdelay $0x2  }
0x99: {  	s17 =	spop @!p0 (v2sf)  }
0x9a: {  	s17 =	sand.u32 @!p0 $0xFFFFF80, s17;
	[tilespmem:v9+s28+$0x0] =	vst.idx.msk $0xffff, v6  }
0x9b: {  	s18 =	simm.s32 @!p0 $0x7200;
	s17 =	sadd.s32 @!p0 s1, s17;
	[tilespmem:v7+s28+$0x0] =	vst.idx.msk $0xffff, v8  }
0x9c: {  	[tilespmem:s18], [sflag:$0x4] =	stream.strided.gather @!p0 [hbm4b:s17+s15], $0x1000, s16, s15, $0x38;
	[tilespmem:$0x14200] =	vst v63  }
0x9d: {  	_ =	swait.ge [sflag:s0], $0x1000  }
0x9e: {  	(v2sf) =	vpush v4, $0x4;
	_ =	sdelay $0xa  }
0x9f: {  	(v2sf) =	vpush @!p0 v5, $0x4;
	_ =	sdelay $0x3  }
0xa0: {  	s18 =	spop (v2sf)  }
0xa1: {  	s17 =	sand.u32 $0x7F, s18  }
0xa2: {  	s18 =	sadd.s32 $0xFFFFFFF5, s14;
	v18 =	vor.u32 s17, v0  }
0xa3: {  	v19 =	vmov s18;
	v20 =	vor.u32 s17, v1  }
0xa4: {  	v21 =	vshll.u32 v19, $0x3  }
0xa5: {  	[sflag:s0] =	ssyncset.done $0x0;
	v7 =	vand.u32 $0x74, v19;
	v9 =	vand.u32 $0xC00, v21  }
0xa6: {  	[sflag:s0] =	ssyncadd.s32 $0xFFFFF000;
	s18 =	simm.s32 $0x8200;
	v7 =	vor.u32 v7, v9  }
0xa7: {  	v9 =	vor.u32 v2, v7;
	v6 =	vld.idx.msk [tilespmem:v18+s18+$0x0], $0xffff  }
0xa8: {  	v7 =	vor.u32 v3, v7;
	v8 =	vld.idx.msk [tilespmem:v20+s18+$0x0], $0xffff;
	_ =	sdelay $0x2  }
0xa9: {  	s17 =	spop @!p0 (v2sf)  }
0xaa: {  	s17 =	sand.u32 @!p0 $0xFFFFF80, s17;
	[tilespmem:v9+s28+$0x0] =	vst.idx.msk $0xffff, v6  }
0xab: {  	s17 =	sadd.s32 @!p0 s1, s17;
	s18 =	simm.s32 @!p0 $0x8200;
	[tilespmem:v7+s28+$0x0] =	vst.idx.msk $0xffff, v8  }
0xac: {  	[tilespmem:s18], [sflag:$0x5] =	stream.strided.gather @!p0 [hbm4b:s17+s15], $0x1000, s16, s15, $0x38;
	[tilespmem:$0x14200] =	vst v63  }
0xad: {  	_ =	swait.ge [sflag:s2], $0x1000  }
0xae: {  	(v2sf) =	vpush v4, $0x5;
	_ =	sdelay $0xa  }
0xaf: {  	(v2sf) =	vpush @!p0 v5, $0x5;
	_ =	sdelay $0x3  }
0xb0: {  	s18 =	spop (v2sf)  }
0xb1: {  	s17 =	sand.u32 $0x7F, s18  }
0xb2: {  	s18 =	sadd.s32 $0xFFFFFFF6, s14;
	v22 =	vor.u32 s17, v0  }
0xb3: {  	v23 =	vmov s18;
	v24 =	vor.u32 s17, v1  }
0xb4: {  	v25 =	vshll.u32 v23, $0x3  }
0xb5: {  	[sflag:s2] =	ssyncset.done $0x0;
	v7 =	vand.u32 $0x75, v23;
	v9 =	vand.u32 $0xC00, v25  }
0xb6: {  	[sflag:s2] =	ssyncadd.s32 $0xFFFFF000;
	v7 =	vor.u32 v7, v9  }
0xb7: {  	v9 =	vor.u32 v2, v7;
	v6 =	vld.idx.msk [tilespmem:v22+s23+$0x0], $0xffff  }
0xb8: {  	v7 =	vor.u32 v3, v7;
	v8 =	vld.idx.msk [tilespmem:v24+s23+$0x0], $0xffff;
	_ =	sdelay $0x2  }
0xb9: {  	s17 =	spop @!p0 (v2sf)  }
0xba: {  	s17 =	sand.u32 @!p0 $0xFFFFF80, s17;
	[tilespmem:v9+s28+$0x0] =	vst.idx.msk $0xffff, v6  }
0xbb: {  	s18 =	simm.s32 @!p0 $0x9200;
	s17 =	sadd.s32 @!p0 s1, s17;
	[tilespmem:v7+s28+$0x0] =	vst.idx.msk $0xffff, v8  }
0xbc: {  	[tilespmem:s18], [sflag:$0x6] =	stream.strided.gather @!p0 [hbm4b:s17+s15], $0x1000, s16, s15, $0x38;
	[tilespmem:$0x14200] =	vst v63  }
0xbd: {  	_ =	swait.ge [sflag:s3], $0x1000  }
0xbe: {  	(v2sf) =	vpush v4, $0x6;
	_ =	sdelay $0xa  }
0xbf: {  	(v2sf) =	vpush @!p0 v5, $0x6;
	_ =	sdelay $0x3  }
0xc0: {  	s18 =	spop (v2sf)  }
0xc1: {  	s17 =	sand.u32 $0x7F, s18  }
0xc2: {  	s18 =	sadd.s32 $0xFFFFFFF7, s14;
	v26 =	vor.u32 s17, v0  }
0xc3: {  	v27 =	vmov s18;
	v28 =	vor.u32 s17, v1  }
0xc4: {  	v29 =	vshll.u32 v27, $0x3  }
0xc5: {  	[sflag:s3] =	ssyncset.done $0x0;
	v7 =	vand.u32 $0x76, v27;
	v9 =	vand.u32 $0xC00, v29  }
0xc6: {  	[sflag:s3] =	ssyncadd.s32 $0xFFFFF000;
	v7 =	vor.u32 v7, v9  }
0xc7: {  	v9 =	vor.u32 v2, v7;
	v6 =	vld.idx.msk [tilespmem:v26+s24+$0x0], $0xffff  }
0xc8: {  	v7 =	vor.u32 v3, v7;
	v8 =	vld.idx.msk [tilespmem:v28+s24+$0x0], $0xffff;
	_ =	sdelay $0x2  }
0xc9: {  	s17 =	spop @!p0 (v2sf)  }
0xca: {  	s17 =	sand.u32 @!p0 $0xFFFFF80, s17;
	[tilespmem:v9+s28+$0x0] =	vst.idx.msk $0xffff, v6  }
0xcb: {  	s18 =	simm.s32 @!p0 $0xA200;
	s17 =	sadd.s32 @!p0 s1, s17;
	[tilespmem:v7+s28+$0x0] =	vst.idx.msk $0xffff, v8  }
0xcc: {  	[tilespmem:s18], [sflag:$0x7] =	stream.strided.gather @!p0 [hbm4b:s17+s15], $0x1000, s16, s15, $0x38;
	[tilespmem:$0x14200] =	vst v63  }
0xcd: {  	_ =	swait.ge [sflag:s4], $0x1000  }
0xce: {  	(v2sf) =	vpush v4, $0x7;
	_ =	sdelay $0xa  }
0xcf: {  	(v2sf) =	vpush @!p0 v5, $0x7;
	_ =	sdelay $0x3  }
0xd0: {  	s18 =	spop (v2sf)  }
0xd1: {  	s17 =	sand.u32 $0x7F, s18  }
0xd2: {  	s18 =	sadd.s32 $0xFFFFFFF8, s14;
	v30 =	vor.u32 s17, v0  }
0xd3: {  	v31 =	vmov s18;
	v32 =	vor.u32 s17, v1  }
0xd4: {  	v33 =	vshll.u32 v31, $0x3  }
0xd5: {  	[sflag:s4] =	ssyncset.done $0x0;
	v7 =	vand.u32 $0x77, v31;
	v9 =	vand.u32 $0xC00, v33  }
0xd6: {  	[sflag:s4] =	ssyncadd.s32 $0xFFFFF000;
	v7 =	vor.u32 v7, v9  }
0xd7: {  	v9 =	vor.u32 v2, v7;
	v6 =	vld.idx.msk [tilespmem:v30+s25+$0x0], $0xffff  }
0xd8: {  	v7 =	vor.u32 v3, v7;
	v8 =	vld.idx.msk [tilespmem:v32+s25+$0x0], $0xffff;
	_ =	sdelay $0x2  }
0xd9: {  	s17 =	spop @!p0 (v2sf)  }
0xda: {  	s17 =	sand.u32 @!p0 $0xFFFFF80, s17;
	[tilespmem:v9+s28+$0x0] =	vst.idx.msk $0xffff, v6  }
0xdb: {  	s18 =	simm.s32 @!p0 $0xB200;
	s17 =	sadd.s32 @!p0 s1, s17;
	[tilespmem:v7+s28+$0x0] =	vst.idx.msk $0xffff, v8  }
0xdc: {  	[tilespmem:s18], [sflag:$0x8] =	stream.strided.gather @!p0 [hbm4b:s17+s15], $0x1000, s16, s15, $0x38;
	[tilespmem:$0x14200] =	vst v63  }
0xdd: {  	_ =	swait.ge [sflag:s5], $0x1000  }
0xde: {  	(v2sf) =	vpush v4, $0x8;
	_ =	sdelay $0xa  }
0xdf: {  	(v2sf) =	vpush @!p0 v5, $0x8;
	_ =	sdelay $0x3  }
0xe0: {  	s18 =	spop (v2sf)  }
0xe1: {  	s17 =	sand.u32 $0x7F, s18  }
0xe2: {  	s18 =	sadd.s32 $0xFFFFFFF9, s14;
	v34 =	vor.u32 s17, v0  }
0xe3: {  	v35 =	vmov s18;
	v36 =	vor.u32 s17, v1  }
0xe4: {  	v37 =	vshll.u32 v35, $0x3  }
0xe5: {  	[sflag:s5] =	ssyncset.done $0x0;
	v7 =	vand.u32 $0x78, v35;
	v9 =	vand.u32 $0xC00, v37  }
0xe6: {  	[sflag:s5] =	ssyncadd.s32 $0xFFFFF000;
	s18 =	simm.s32 $0xC200;
	v7 =	vor.u32 v7, v9  }
0xe7: {  	v9 =	vor.u32 v2, v7;
	v6 =	vld.idx.msk [tilespmem:v34+s18+$0x0], $0xffff  }
0xe8: {  	v7 =	vor.u32 v3, v7;
	v8 =	vld.idx.msk [tilespmem:v36+s18+$0x0], $0xffff;
	_ =	sdelay $0x2  }
0xe9: {  	s17 =	spop @!p0 (v2sf)  }
0xea: {  	s17 =	sand.u32 @!p0 $0xFFFFF80, s17;
	[tilespmem:v9+s28+$0x0] =	vst.idx.msk $0xffff, v6  }
0xeb: {  	s17 =	sadd.s32 @!p0 s1, s17;
	s18 =	simm.s32 @!p0 $0xC200;
	[tilespmem:v7+s28+$0x0] =	vst.idx.msk $0xffff, v8  }
0xec: {  	[tilespmem:s18], [sflag:$0x9] =	stream.strided.gather @!p0 [hbm4b:s17+s15], $0x1000, s16, s15, $0x38;
	[tilespmem:$0x14200] =	vst v63  }
0xed: {  	_ =	swait.ge [sflag:s7], $0x1000  }
0xee: {  	(v2sf) =	vpush v4, $0x9;
	_ =	sdelay $0xa  }
0xef: {  	(v2sf) =	vpush @!p0 v5, $0x9;
	_ =	sdelay $0x3  }
0xf0: {  	s18 =	spop (v2sf)  }
0xf1: {  	s17 =	sand.u32 $0x7F, s18  }
0xf2: {  	s18 =	sadd.s32 $0xFFFFFFFA, s14;
	v38 =	vor.u32 s17, v0  }
0xf3: {  	v39 =	vmov s18;
	v40 =	vor.u32 s17, v1  }
0xf4: {  	v41 =	vshll.u32 v39, $0x3  }
0xf5: {  	[sflag:s7] =	ssyncset.done $0x0;
	v7 =	vand.u32 $0x79, v39;
	v9 =	vand.u32 $0xC00, v41  }
0xf6: {  	[sflag:s7] =	ssyncadd.s32 $0xFFFFF000;
	s18 =	simm.s32 $0xD200;
	v7 =	vor.u32 v7, v9  }
0xf7: {  	v9 =	vor.u32 v2, v7;
	v6 =	vld.idx.msk [tilespmem:v38+s18+$0x0], $0xffff  }
0xf8: {  	v7 =	vor.u32 v3, v7;
	v8 =	vld.idx.msk [tilespmem:v40+s18+$0x0], $0xffff;
	_ =	sdelay $0x2  }
0xf9: {  	s17 =	spop @!p0 (v2sf)  }
0xfa: {  	s17 =	sand.u32 @!p0 $0xFFFFF80, s17;
	[tilespmem:v9+s28+$0x0] =	vst.idx.msk $0xffff, v6  }
0xfb: {  	s17 =	sadd.s32 @!p0 s1, s17;
	s18 =	simm.s32 @!p0 $0xD200;
	[tilespmem:v7+s28+$0x0] =	vst.idx.msk $0xffff, v8  }
0xfc: {  	[tilespmem:s18], [sflag:$0xA] =	stream.strided.gather @!p0 [hbm4b:s17+s15], $0x1000, s16, s15, $0x38;
	[tilespmem:$0x14200] =	vst v63  }
0xfd: {  	_ =	swait.ge [sflag:s6], $0x1000  }
0xfe: {  	(v2sf) =	vpush v4, $0xA;
	_ =	sdelay $0xa  }
0xff: {  	(v2sf) =	vpush @!p0 v5, $0xA;
	_ =	sdelay $0x3  }
0x100: {  	s18 =	spop (v2sf)  }
0x101: {  	s17 =	sand.u32 $0x7F, s18  }
0x102: {  	s18 =	sadd.s32 $0xFFFFFFFB, s14;
	v42 =	vor.u32 s17, v0  }
0x103: {  	v43 =	vmov s18;
	v44 =	vor.u32 s17, v1  }
0x104: {  	v45 =	vshll.u32 v43, $0x3  }
0x105: {  	[sflag:s6] =	ssyncset.done $0x0;
	v7 =	vand.u32 $0x7A, v43;
	v9 =	vand.u32 $0xC00, v45  }
0x106: {  	[sflag:s6] =	ssyncadd.s32 $0xFFFFF000;
	s18 =	simm.s32 $0xE200;
	v7 =	vor.u32 v7, v9  }
0x107: {  	v9 =	vor.u32 v2, v7;
	v6 =	vld.idx.msk [tilespmem:v42+s18+$0x0], $0xffff  }
0x108: {  	v7 =	vor.u32 v3, v7;
	v8 =	vld.idx.msk [tilespmem:v44+s18+$0x0], $0xffff;
	_ =	sdelay $0x2  }
0x109: {  	s17 =	spop @!p0 (v2sf)  }
0x10a: {  	s17 =	sand.u32 @!p0 $0xFFFFF80, s17;
	[tilespmem:v9+s28+$0x0] =	vst.idx.msk $0xffff, v6  }
0x10b: {  	s17 =	sadd.s32 @!p0 s1, s17;
	s18 =	simm.s32 @!p0 $0xE200;
	[tilespmem:v7+s28+$0x0] =	vst.idx.msk $0xffff, v8  }
0x10c: {  	[tilespmem:s18], [sflag:$0xB] =	stream.strided.gather @!p0 [hbm4b:s17+s15], $0x1000, s16, s15, $0x38;
	[tilespmem:$0x14200] =	vst v63  }
0x10d: {  	_ =	swait.ge [sflag:s8], $0x1000  }
0x10e: {  	(v2sf) =	vpush v4, $0xB;
	_ =	sdelay $0xa  }
0x10f: {  	(v2sf) =	vpush @!p0 v5, $0xB;
	_ =	sdelay $0x3  }
0x110: {  	s18 =	spop (v2sf)  }
0x111: {  	s17 =	sand.u32 $0x7F, s18  }
0x112: {  	s18 =	sadd.s32 $0xFFFFFFFC, s14;
	v46 =	vor.u32 s17, v0  }
0x113: {  	v47 =	vmov s18;
	v48 =	vor.u32 s17, v1  }
0x114: {  	v49 =	vshll.u32 v47, $0x3  }
0x115: {  	[sflag:s8] =	ssyncset.done $0x0;
	v7 =	vand.u32 $0x7B, v47;
	v9 =	vand.u32 $0xC00, v49  }
0x116: {  	[sflag:s8] =	ssyncadd.s32 $0xFFFFF000;
	s18 =	simm.s32 $0xF200;
	v7 =	vor.u32 v7, v9  }
0x117: {  	v9 =	vor.u32 v2, v7;
	v6 =	vld.idx.msk [tilespmem:v46+s18+$0x0], $0xffff  }
0x118: {  	v7 =	vor.u32 v3, v7;
	v8 =	vld.idx.msk [tilespmem:v48+s18+$0x0], $0xffff;
	_ =	sdelay $0x2  }
0x119: {  	s17 =	spop @!p0 (v2sf)  }
0x11a: {  	s17 =	sand.u32 @!p0 $0xFFFFF80, s17;
	[tilespmem:v9+s28+$0x0] =	vst.idx.msk $0xffff, v6  }
0x11b: {  	s17 =	sadd.s32 @!p0 s1, s17;
	s18 =	simm.s32 @!p0 $0xF200;
	[tilespmem:v7+s28+$0x0] =	vst.idx.msk $0xffff, v8  }
0x11c: {  	[tilespmem:s18], [sflag:$0xC] =	stream.strided.gather @!p0 [hbm4b:s17+s15], $0x1000, s16, s15, $0x38;
	[tilespmem:$0x14200] =	vst v63  }
0x11d: {  	_ =	swait.ge [sflag:s9], $0x1000  }
0x11e: {  	(v2sf) =	vpush v4, $0xC;
	_ =	sdelay $0xa  }
0x11f: {  	(v2sf) =	vpush @!p0 v5, $0xC;
	_ =	sdelay $0x3  }
0x120: {  	s18 =	spop (v2sf)  }
0x121: {  	s17 =	sand.u32 $0x7F, s18  }
0x122: {  	s18 =	sadd.s32 $0xFFFFFFFD, s14;
	v50 =	vor.u32 s17, v0  }
0x123: {  	v51 =	vmov s18;
	v52 =	vor.u32 s17, v1  }
0x124: {  	v53 =	vshll.u32 v51, $0x3  }
0x125: {  	[sflag:s9] =	ssyncset.done $0x0;
	v7 =	vand.u32 $0x7C, v51;
	v9 =	vand.u32 $0xC00, v53  }
0x126: {  	[sflag:s9] =	ssyncadd.s32 $0xFFFFF000;
	s18 =	simm.s32 $0x10200;
	v7 =	vor.u32 v7, v9  }
0x127: {  	v9 =	vor.u32 v2, v7;
	v6 =	vld.idx.msk [tilespmem:v50+s18+$0x0], $0xffff  }
0x128: {  	v7 =	vor.u32 v3, v7;
	v8 =	vld.idx.msk [tilespmem:v52+s18+$0x0], $0xffff;
	_ =	sdelay $0x2  }
0x129: {  	s17 =	spop @!p0 (v2sf)  }
0x12a: {  	s17 =	sand.u32 @!p0 $0xFFFFF80, s17;
	[tilespmem:v9+s28+$0x0] =	vst.idx.msk $0xffff, v6  }
0x12b: {  	s17 =	sadd.s32 @!p0 s1, s17;
	s18 =	simm.s32 @!p0 $0x10200;
	[tilespmem:v7+s28+$0x0] =	vst.idx.msk $0xffff, v8  }
0x12c: {  	[tilespmem:s18], [sflag:$0xD] =	stream.strided.gather @!p0 [hbm4b:s17+s15], $0x1000, s16, s15, $0x38;
	[tilespmem:$0x14200] =	vst v63  }
0x12d: {  	_ =	swait.ge [sflag:s10], $0x1000  }
0x12e: {  	(v2sf) =	vpush v4, $0xD;
	_ =	sdelay $0xa  }
0x12f: {  	(v2sf) =	vpush @!p0 v5, $0xD;
	_ =	sdelay $0x3  }
0x130: {  	s18 =	spop (v2sf)  }
0x131: {  	s17 =	sand.u32 $0x7F, s18  }
0x132: {  	s18 =	sadd.s32 $0xFFFFFFFE, s14;
	v54 =	vor.u32 s17, v0  }
0x133: {  	v55 =	vmov s18;
	v56 =	vor.u32 s17, v1  }
0x134: {  	v57 =	vshll.u32 v55, $0x3  }
0x135: {  	[sflag:s10] =	ssyncset.done $0x0;
	v7 =	vand.u32 $0x7D, v55;
	v9 =	vand.u32 $0xC00, v57  }
0x136: {  	[sflag:s10] =	ssyncadd.s32 $0xFFFFF000;
	s18 =	simm.s32 $0x11200;
	v7 =	vor.u32 v7, v9  }
0x137: {  	v9 =	vor.u32 v2, v7;
	v6 =	vld.idx.msk [tilespmem:v54+s18+$0x0], $0xffff  }
0x138: {  	v7 =	vor.u32 v3, v7;
	v8 =	vld.idx.msk [tilespmem:v56+s18+$0x0], $0xffff;
	_ =	sdelay $0x2  }
0x139: {  	s17 =	spop @!p0 (v2sf)  }
0x13a: {  	s17 =	sand.u32 @!p0 $0xFFFFF80, s17;
	[tilespmem:v9+s28+$0x0] =	vst.idx.msk $0xffff, v6  }
0x13b: {  	s17 =	sadd.s32 @!p0 s1, s17;
	s18 =	simm.s32 @!p0 $0x11200;
	[tilespmem:v7+s28+$0x0] =	vst.idx.msk $0xffff, v8  }
0x13c: {  	[tilespmem:s18], [sflag:$0xE] =	stream.strided.gather @!p0 [hbm4b:s17+s15], $0x1000, s16, s15, $0x38;
	[tilespmem:$0x14200] =	vst v63  }
0x13d: {  	_ =	swait.ge [sflag:s11], $0x1000  }
0x13e: {  	(v2sf) =	vpush v4, $0xE;
	_ =	sdelay $0xa  }
0x13f: {  	(v2sf) =	vpush @!p0 v5, $0xE;
	_ =	sdelay $0x3  }
0x140: {  	s18 =	spop (v2sf)  }
0x141: {  	s17 =	sand.u32 $0x7F, s18  }
0x142: {  	s18 =	sadd.s32 $0xFFFFFFFF, s14;
	v58 =	vor.u32 s17, v0  }
0x143: {  	v59 =	vmov s18;
	v60 =	vor.u32 s17, v1  }
0x144: {  	v61 =	vshll.u32 v59, $0x3  }
0x145: {  	[sflag:s11] =	ssyncset.done $0x0;
	v7 =	vand.u32 $0x7E, v59;
	v9 =	vand.u32 $0xC00, v61  }
0x146: {  	[sflag:s11] =	ssyncadd.s32 $0xFFFFF000;
	v7 =	vor.u32 v7, v9  }
0x147: {  	v9 =	vor.u32 v2, v7;
	v6 =	vld.idx.msk [tilespmem:v58+s20+$0x0], $0xffff  }
0x148: {  	v7 =	vor.u32 v3, v7;
	v8 =	vld.idx.msk [tilespmem:v60+s20+$0x0], $0xffff;
	_ =	sdelay $0x2  }
0x149: {  	s17 =	spop @!p0 (v2sf)  }
0x14a: {  	s17 =	sand.u32 @!p0 $0xFFFFF80, s17;
	[tilespmem:v9+s28+$0x0] =	vst.idx.msk $0xffff, v6  }
0x14b: {  	s18 =	simm.s32 @!p0 $0x12200;
	s17 =	sadd.s32 @!p0 s1, s17;
	[tilespmem:v7+s28+$0x0] =	vst.idx.msk $0xffff, v8  }
0x14c: {  	[tilespmem:s18], [sflag:$0xF] =	stream.strided.gather @!p0 [hbm4b:s17+s15], $0x1000, s16, s15, $0x38;
	[tilespmem:$0x14200] =	vst v63  }
0x14d: {  	_ =	swait.ge [sflag:s12], $0x1000  }
0x14e: {  	(v2sf) =	vpush v4, $0xF;
	_ =	sdelay $0xa  }
0x14f: {  	(v2sf) =	vpush @!p0 v5, $0xF;
	_ =	sdelay $0x3  }
0x150: {  	s18 =	spop (v2sf)  }
0x151: {  	s17 =	sand.u32 $0x7F, s18  }
0x152: {  	v4 =	vor.u32 s17, v0  }
0x153: {  	v5 =	vmov s14;
	v62 =	vor.u32 s17, v1  }
0x154: {  	v63 =	vshll.u32 v5, $0x3  }
0x155: {  	[sflag:s12] =	ssyncset.done $0x0;
	v5 =	vand.u32 $0x7F, v5;
	v7 =	vand.u32 $0xC00, v63  }
0x156: {  	[sflag:s12] =	ssyncadd.s32 $0xFFFFF000;
	v5 =	vor.u32 v5, v7  }
0x157: {  	v7 =	vor.u32 v2, v5;
	v4 =	vld.idx.msk [tilespmem:v4+s22+$0x0], $0xffff  }
0x158: {  	s14 =	sadd.s32 @!p0 $0x10, s14;
	v5 =	vor.u32 v3, v5;
	v6 =	vld.idx.msk [tilespmem:v62+s22+$0x0], $0xffff  }
0x159: {  	p1 =	sne.s32 @!p0 s14, $0x20F  }
0x15a: {  	p1 =	por p0, !p1  }
.Ltmp0:
0x15b: {  	s17 =	spop @!p0 (v2sf);
	(pc) =	sbr.rel @!p1 .LBB2_2-.Ltmp0, $4  }
0x15c: {  	s17 =	sand.u32 @!p0 $0xFFFFF80, s17;
	[tilespmem:v7+s28+$0x0] =	vst.idx.msk $0xffff, v4  }
0x15d: {  	s18 =	simm.s32 @!p0 $0x13200;
	s17 =	sadd.s32 @!p0 s1, s17;
	[tilespmem:v5+s28+$0x0] =	vst.idx.msk $0xffff, v6  }
0x15e: {  	[tilespmem:s18], [sflag:$0x10] =	stream.strided.gather @!p0 [hbm4b:s17+s15], $0x1000, s16, s15, $0x38;
	[tilespmem:$0x14200] =	vst v63  }
0x15f: {  	s13 =	sadd.s32 @!p0 $0x40, s13;
	s17 =	simm.s32 $0x4200  }
0x160: {  	s13 =	rddreg [dreg:$0x5];
	s14 =	simm.s32 $0x1000;
	s15 =	simm.s32 $0x20000  }
0x161: {  	[hbm4b:s13+s14] =	stream.strided.scatter [tilespmem:s28], [sflag:$0x11], $0x4000, s15, s14, $0x38;
	[tilespmem:$0x14200] =	vst v63  }
0x162: {  	s15 =	simm.s32 $0x11  }
0x163: {  	_ =	swait.ge [sflag:s15], $0x4000  }
0x164: {  	s24 =	rddreg [dreg:$0x7]  }
0x165: {  	s25 =	rddreg [dreg:$0x6];
	s14 =	sadd.s32 $0x1, s24  }
0x166: {  	p0 =	sne.s32 s14, s25  }
.Ltmp1:
0x167: {  	_ = 	snop;
	(pc) =	sbr.rel @p0 .LBB2_1-.Ltmp1, $4  }
0x168: {  	s18 =	simm.s32 $0x5200  }
0x169: {  	s19 =	simm.s32 $0x6200;
	s20 =	simm.s32 $0x7200;
	s21 =	simm.s32 $0x8200  }
0x16a: {  	s22 =	simm.s32 $0x9200;
	s23 =	simm.s32 $0xA200;
	[sflag:s15] =	ssyncset.done $0x0  }
0x16b: {  	[sflag:s15] =	ssyncadd.s32 $0xFFFFC000;
	s24 =	simm.s32 $0xB200;
	s25 =	simm.s32 $0xC200  }
0x16c: {  	_ =	sfence.sel $0x180000  }
0x16d: {  	[bflag:$0x0] =	sbarrier.arrive $0xFFFF  }
0x16e: {  	_ =	strace $0x90000047  }
0x16f: {  	s0 =	stileid.u32;
	[bflag:$0x2] =	sbarrier.arrive $0xFFFF  }
0x170: {  	p0 =	sne.s32 s0, $0x0;
	s0 =	rddreg [dreg:$0x3]  }
0x171: {  	s0 =	sadd.s32 @!p0 $0x100000, s0  }
0x172: {  	[sflag:s0] =	ssyncadd.tile.s32 @!p0 $0x1;
	_ =	shalt  }
.Lfunc_end2:
_tile_overlayer_lowered:
.L_overlay_start_2:
0x173: {  	(tag) =	ssettag $0x2  }
0x174: {  	s0 =	rddreg [dreg:$0x0];
	s2 =	stileid.u32  }
0x175: {  	s1 =	rddreg [dreg:$0x1];
	p0 =	sne.s32 s2, $0x0  }
0x176: {  	s3 =	rddreg [dreg:$0x2];
	[bflag:$0x3] =	sbarrier.arrive $0xFFFF;
	s2 =	simm.s32 @!p0 $0x1C11  }
0x177: {  	[timem:s3], [sflag:s2] =	dma.local @!p0 [hbm:s0], s1  }
0x178: {  	s0 =	simm.s32 @!p0 $0x11  }
0x179: {  	_ =	swait.ge @!p0 [sflag:s0], s1  }
0x17a: {  	s1 =	ssub.s32 @!p0 $0x0, s1;
	[sflag:s0] =	ssyncset.done @!p0 $0x0  }
0x17b: {  	[sflag:s0] =	ssyncadd.s32 @!p0 s1  }
0x17c: {  	[bflag:$0x3] =	sbarrier.arrive $0xFFFF  }
0x17d: {  	_ =	shalt  }

</sc_bundles>
